<compile_context>
chip_gen: v7x
topology: tpu7x:2x2x1
jax: 0.10.2.dev20260603
libtpu: 0.0.44.dev20260713+nightly
codegen_flags: <defaults>
</compile_context>

<pallas_src>
import jax
import jax.numpy as jnp
from jax import lax
from jax.experimental import pallas as pl
from jax.experimental.pallas import tpu as pltpu
from jax.experimental.pallas import tpu_sc as plsc

N = 4096
M = 1024
ETA = 0.1
MU_WTS = 2.5

NC = 2
NS = 16
NW = NC * NS
JPW = N // NW
LANES = 16
G = 8
NBUF = 3

BM = 256


def _rne_bf16(v):
    ab = plsc.pack(v, v, format=plsc.PackFormat.INTERLEAVED)
    a, _ = plsc.unpack(ab, format=plsc.PackFormat.INTERLEAVED)
    return a


def _sc_gather_body(firing_hbm, retina_hbm, out_hbm, fire_v, idx_v, rows_v,
                    acc_v, sem):
    wid = lax.axis_index("s") * NC + lax.axis_index("c")
    base = wid * JPW
    pltpu.sync_copy(firing_hbm.at[pl.ds(base, JPW)], fire_v)

    def _zacc(i, carry):
        acc_v[pl.ds(i * LANES, LANES)] = jnp.zeros((LANES,), jnp.float32)
        return carry
    lax.fori_loop(0, N // LANES, _zacc, 0)

    for i in range(JPW // LANES):
        idx_v[pl.ds(i * LANES, LANES)] = jnp.zeros((LANES,), jnp.int32)

    count = jnp.int32(0)
    for i in range(JPW // LANES):
        f = fire_v[pl.ds(i * LANES, LANES)]
        m = f > 0.0
        idxs = (base + i * LANES + lax.iota(jnp.int32, LANES)).astype(jnp.int32)
        inc = jnp.where(m, jnp.int32(1), jnp.int32(0))
        pos = plsc.cumsum(inc) + (count - 1)
        plsc.store_scatter(idx_v, [pos], idxs, mask=m)
        count = count + jnp.sum(inc)

    n_chunks = (count + (G - 1)) // G
    n_full = count // G

    def _issue(c, buf):
        src = retina_hbm.at[idx_v.at[pl.ds(c * G, G)]]
        pltpu.async_copy(src, rows_v.at[pl.ds(buf * G, G)], sem)

    @pl.when(n_chunks > 0)
    def _():
        _issue(0, 0)

    @pl.when(n_chunks > 1)
    def _():
        _issue(1, 1)

    def _chunk(c, carry):
        buf = lax.rem(c, NBUF)
        pltpu.make_async_copy(
            retina_hbm.at[idx_v.at[pl.ds(0, G)]],
            rows_v.at[pl.ds(buf * G, G)], sem).wait()

        @pl.when(c + 2 < n_chunks)
        def _():
            _issue(c + 2, lax.rem(c + 2, NBUF))

        bb = buf * G

        @pl.when(c < n_full)
        def _():
            def _acc(i, inner):
                s = pl.ds(i * LANES, LANES)
                v = acc_v[s]
                for r in range(G):
                    v = v + _rne_bf16(rows_v[bb + r, s])
                acc_v[s] = v
                return inner
            lax.fori_loop(0, N // LANES, _acc, 0)

        @pl.when(c >= n_full)
        def _():
            wts = [jnp.where(c * G + r < count, jnp.float32(1.0),
                             jnp.float32(0.0)) for r in range(G)]

            def _acc(i, inner):
                s = pl.ds(i * LANES, LANES)
                v = acc_v[s]
                for r in range(G):
                    v = v + _rne_bf16(rows_v[bb + r, s]) * wts[r]
                acc_v[s] = v
                return inner
            lax.fori_loop(0, N // LANES, _acc, 0)
        return carry
    lax.fori_loop(0, n_chunks, _chunk, 0)

    pltpu.sync_copy(acc_v, out_hbm.at[wid])


def _sc_gather(is_firing, retina_weights):
    mesh = plsc.VectorSubcoreMesh(core_axis_name="c", subcore_axis_name="s",
                                  num_cores=NC, num_subcores=NS)
    fn = pl.kernel(
        _sc_gather_body,
        out_type=jax.ShapeDtypeStruct((NW, N), jnp.float32),
        mesh=mesh,
        scratch_types=[
            pltpu.VMEM((JPW,), jnp.float32),
            pltpu.VMEM((JPW,), jnp.int32),
            pltpu.VMEM((NBUF * G, N), jnp.float32),
            pltpu.VMEM((N,), jnp.float32),
            pltpu.SemaphoreType.DMA,
        ],
        compiler_params=pltpu.CompilerParams(use_tc_tiling_on_sc=True,
                                             needs_layout_passes=False),
    )
    return fn(is_firing, retina_weights)


def _tc_copy_body(w_in_ref, w_out_ref):
    w_out_ref[...] = w_in_ref[...]


def _tc_copy(lgn_weights):
    return pl.pallas_call(
        _tc_copy_body,
        grid=(M // BM,),
        in_specs=[pl.BlockSpec((BM, N), lambda i: (i, 0))],
        out_specs=pl.BlockSpec((BM, N), lambda i: (i, 0)),
        out_shape=jax.ShapeDtypeStruct((M, N), jnp.float32),
    )(lgn_weights)


def _tc_main_body(part_ref, x_ref, nthr_ref, w_ref, lthr_ref, wcin_ref,
                  act_ref, nf_ref, nthr_out_ref, wcout_ref,
                  mv_ref, mi_ref, wrow_ref, row_v, sem):
    del wcin_ref
    i = pl.program_id(0)

    @pl.when(i == 0)
    def _():
        node_x = jnp.sum(part_ref[...], axis=0)
        nf_ref[...] = (node_x + x_ref[...] > nthr_ref[...]).astype(jnp.float32)
        mv_ref[0] = jnp.float32(-1.0)
        mi_ref[0] = jnp.int32(0)

    f = nf_ref[...]
    w = w_ref[...]
    wb = w.astype(jnp.bfloat16).astype(jnp.float32)
    dot = jnp.sum(wb * f[None, :], axis=1)
    lact = jnp.maximum(dot, 0.0)
    act_ref[...] = lact
    a = jnp.maximum(lact - lthr_ref[pl.ds(i * BM, BM)], 0.0).reshape(1, BM)
    bm = jnp.max(a)
    ii = lax.broadcasted_iota(jnp.int32, (1, BM), 1)
    ba = jnp.min(jnp.where(a == bm, ii, BM))

    @pl.when(bm > mv_ref[0])
    def _():
        mv_ref[0] = bm
        mi_ref[0] = i * BM + ba
        wrow_ref[...] = w_ref[pl.ds(ba, 1), :]

    @pl.when(i == (M // BM) - 1)
    def _():
        mv = mv_ref[0]
        mi = mi_ref[0]
        fired = mv > 0.0
        t = lthr_ref[...].reshape(8, M // 8)
        fi = (lax.broadcasted_iota(jnp.int32, (8, M // 8), 0) * (M // 8)
              + lax.broadcasted_iota(jnp.int32, (8, M // 8), 1))
        add = jnp.where(fired, 0.005 * mv, 0.0)
        nthr_out_ref[...] = jnp.where(fi == mi, t + add, t).reshape(M)

        @pl.when(fired)
        def _():
            w_row = wrow_ref[0, :] + ETA * mv * nf_ref[...]
            w_row = w_row / jnp.mean(w_row) * MU_WTS
            row_v[...] = w_row
            cout = pltpu.make_async_copy(row_v, wcout_ref.at[mi], sem)
            cout.start()
            cout.wait()


def _tc_main(partials, x, node_threshold, lgn_weights, lgn_threshold, w_copy):
    return pl.pallas_call(
        _tc_main_body,
        grid=(M // BM,),
        in_specs=[
            pl.BlockSpec((NW, N), lambda i: (0, 0)),
            pl.BlockSpec((N,), lambda i: (0,)),
            pl.BlockSpec((N,), lambda i: (0,)),
            pl.BlockSpec((BM, N), lambda i: (i, 0)),
            pl.BlockSpec((M,), lambda i: (0,)),
            pl.BlockSpec(memory_space=pl.ANY),
        ],
        out_specs=[
            pl.BlockSpec((BM,), lambda i: (i,)),
            pl.BlockSpec((N,), lambda i: (0,)),
            pl.BlockSpec((M,), lambda i: (0,)),
            pl.BlockSpec(memory_space=pl.ANY),
        ],
        out_shape=[
            jax.ShapeDtypeStruct((M,), jnp.float32),
            jax.ShapeDtypeStruct((N,), jnp.float32),
            jax.ShapeDtypeStruct((M,), jnp.float32),
            jax.ShapeDtypeStruct((M, N), jnp.float32),
        ],
        input_output_aliases={5: 3},
        scratch_shapes=[
            pltpu.SMEM((1,), jnp.float32),
            pltpu.SMEM((1,), jnp.int32),
            pltpu.VMEM((1, N), jnp.float32),
            pltpu.VMEM((N,), jnp.float32),
            pltpu.SemaphoreType.DMA,
        ],
        compiler_params=pltpu.CompilerParams(
            dimension_semantics=("arbitrary",)),
    )(partials, x, node_threshold, lgn_weights, lgn_threshold, w_copy)


def kernel(x, is_firing, retina_weights, lgn_weights, lgn_threshold,
           node_threshold):
    partials = _sc_gather(is_firing, retina_weights)
    w_copy = _tc_copy(lgn_weights)
    lgn_act, new_firing, new_lgn_threshold, new_lgn_weights = _tc_main(
        partials, x, node_threshold, lgn_weights, lgn_threshold, w_copy)
    return lgn_act, new_firing, new_lgn_weights, new_lgn_threshold

# --- scband reference (transcript-rebuilt; emitter-appended) ---
"""Pipeline reference for scband-lgnlayer-9594956939813 (READ-ONLY COPY).

The authoritative reference and input builder live on the scoring server;
editing this copy changes nothing except your own understanding.
"""

import jax, jax.numpy as jnp
import numpy as np

N = 4096  # num_neurons_retina
M = 1024  # num_neurons_lgn
SQ = 10.0  # square_size
NB = 2.0   # neighbourhood_size
ETA = 0.1
MU_WTS = 2.5
SIGMA_WTS = 0.14


def pairwise_distance(u, v=None):
    if v is None:
        v = u
    d2 = jnp.sum((u[:, None, :] - v[None, :, :]) ** 2, axis=2)
    return jnp.sqrt(jnp.maximum(d2, 0.0))


def setup_inputs(seed: int = 0) -> dict:
    key = jax.random.key(seed)
    ks = jax.random.split(key, 8)
    # retina topology on a square, as in __init__
    topology = jax.random.uniform(ks[0], (N, 2)) * SQ
    dist_matrix = pairwise_distance(topology)
    # Node weights: Gaussian neighbourhood kernel, zero outside neighbourhood_size
    # (stands in for Node(topology[i], dist_matrix[i], neighbourhood_size).get_weights())
    sigma = NB / 2.0
    retina_weights = jnp.where((dist_matrix < NB) & (dist_matrix > 0.0),
                               jnp.exp(-dist_matrix ** 2 / (2.0 * sigma ** 2)),
                               0.0).astype(jnp.float32)
    node_threshold = (1.0 + 0.1 * jax.random.normal(ks[1], (N,))).astype(jnp.float32)
    # LGN weights: normal(mu_wts, sigma_wts), row-normalized to mean mu_wts
    lgn_weights = MU_WTS + SIGMA_WTS * jax.random.normal(ks[2], (M, N))
    lgn_weights = (lgn_weights / jnp.mean(lgn_weights, axis=1, keepdims=True) * MU_WTS).astype(jnp.float32)
    lgn_threshold = (70.0 + 2.0 * jax.random.normal(ks[3], (M,))).astype(jnp.float32)
    # firing state (reset_state gives zeros; use sparse random firing for a nontrivial step)
    is_firing = (jax.random.uniform(ks[4], (N,)) < 0.2).astype(jnp.float32)
    x = jax.random.normal(ks[5], (N,), dtype=jnp.float32)
    return {
        "x": x,
        "is_firing": is_firing,
        "retina_weights": retina_weights,
        "lgn_weights": lgn_weights,
        "lgn_threshold": lgn_threshold,
        "node_threshold": node_threshold,
    }


def reference(x, is_firing, retina_weights, lgn_weights, lgn_threshold, node_threshold):
    # node_x[i] = <node_i weights, is_firing>  (the per-node matmul loop, vectorized)
    node_x = retina_weights @ is_firing
    # each Node updates its firing state from its input current (and external drive x)
    new_firing = (node_x + x > node_threshold).astype(jnp.float32)
    # LGN activation
    lgn_act = lgn_weights @ new_firing
    lgn_act = jnp.maximum(lgn_act, 0.0)  # lgn_act[lgn_act < 0] = 0
    act = jnp.maximum(lgn_act - lgn_threshold, 0.0)
    max_val = jnp.max(act)
    max_idx = jnp.argmax(act)
    # winner-take-all Hebbian update (loop of 2 half-steps == one full eta step)
    w_row = lgn_weights[max_idx] + 2.0 * 0.5 * (ETA * max_val * new_firing)
    w_row = w_row / jnp.mean(w_row) * MU_WTS
    fired = max_val > 0.0
    new_lgn_weights = jnp.where(fired, lgn_weights.at[max_idx].set(w_row), lgn_weights)
    new_lgn_threshold = lgn_threshold.at[max_idx].add(jnp.where(fired, 0.005 * max_val, 0.0))
    return lgn_act, new_firing, new_lgn_weights, new_lgn_threshold

if __name__ == "__main__":
    import jax
    _d = setup_inputs()
    print(jax.jit(kernel)(*tuple(_d.values())))

</pallas_src>

<mosaic_0001>
#map = affine_map<(d0, d1) -> (0)>
#map1 = affine_map<(d0, d1) -> (0, 0)>
module attributes {stable_mosaic.version = 14 : i64} {
  func.func @_sc_gather_body(%arg0: i32, %arg1: i32, %arg2: memref<4096xf32, #tpu.memory_space<hbm>>, %arg3: memref<4096x4096xf32, #tpu.memory_space<hbm>>, %arg4: memref<32x4096xf32, #tpu.memory_space<hbm>>, %arg5: memref<128xf32, #tpu.memory_space<vmem>>, %arg6: memref<128xi32, #tpu.memory_space<vmem>>, %arg7: memref<24x4096xf32, #tpu.memory_space<vmem>>, %arg8: memref<4096xf32, #tpu.memory_space<vmem>>, %arg9: memref<!tpu.dma_semaphore, #tpu.memory_space<semaphore_mem>>) attributes {dimension_semantics = [#tpu.dimension_semantics<core_parallel>, #tpu.dimension_semantics<subcore_parallel>], iteration_bounds = array<i64: 2, 16>, scalar_prefetch = 0 : i64, scratch_operands = 5 : i64, tpu.core_type = #tpu.core_type<sc_vector_subcore>, window_params = [{transform_indices = #map}, {transform_indices = #map1}, {transform_indices = #map1}]} {
    %mul3A = arith.constant 2 : i32
    %mul3A_0 = arith.muli %arg1, %mul3A : i32
    %add3A = arith.addi %mul3A_0, %arg0 : i32
    %mul3A_1 = arith.constant 128 : i32
    %mul3A_2 = arith.muli %add3A, %mul3A_1 : i32
    "tpu.region"() ({
      %run_scoped3A = tpu.sem_alloc : memref<!tpu.dma_semaphore, #tpu.memory_space<semaphore_mem>>
      %dma_start3A = tpu.memref_slice %arg2[%mul3A_2] : memref<4096xf32, #tpu.memory_space<hbm>> -> memref<128xf32, #tpu.memory_space<hbm>>
      %dma_start3A_310 = tpu.memref_slice %arg2[%mul3A_2] : memref<4096xf32, #tpu.memory_space<hbm>> -> memref<128xf32, #tpu.memory_space<hbm>>
      tpu.enqueue_dma source(%dma_start3A_310 : memref<128xf32, #tpu.memory_space<hbm>>) target(%arg5 : memref<128xf32, #tpu.memory_space<vmem>>) target_semaphore(%run_scoped3A : memref<!tpu.dma_semaphore, #tpu.memory_space<semaphore_mem>>)
      %dma_wait3A = tpu.memref_slice %arg2[%mul3A_2] : memref<4096xf32, #tpu.memory_space<hbm>> -> memref<128xf32, #tpu.memory_space<hbm>>
      %dma_wait3A_311 = tpu.memref_slice %arg2[%mul3A_2] : memref<4096xf32, #tpu.memory_space<hbm>> -> memref<128xf32, #tpu.memory_space<hbm>>
      tpu.wait_dma2 semaphore(%run_scoped3A : memref<!tpu.dma_semaphore, #tpu.memory_space<semaphore_mem>>) src(%dma_wait3A_311 : memref<128xf32, #tpu.memory_space<hbm>>) dst(%arg5 : memref<128xf32, #tpu.memory_space<vmem>>)
      tpu.yield
    }) : () -> ()
    %scan3A = arith.constant 0 : i32
    %scan3A_3 = arith.constant 0 : i32
    %scan3A_4 = arith.constant 256 : i32
    %scan3A_5 = arith.addi %scan3A_3, %scan3A_4 : i32
    %scan3A_6 = arith.constant 1 : i32
    scf.for %scan3A_310 = %scan3A_3 to %scan3A_5 step %scan3A_6  : i32 {
      %broadcast_in_dim3A_311 = arith.constant 0.000000e+00 : f32
      %broadcast_in_dim3A_312 = vector.broadcast %broadcast_in_dim3A_311 : f32 to vector<16xf32>
      %mul3A_313 = arith.constant 16 : i32
      %mul3A_314 = arith.muli %scan3A_310, %mul3A_313 : i32
      %swap3A_315 = arith.index_cast %mul3A_314 : i32 to index
      %swap3A_316 = tpu.vector_load %arg8[%swap3A_315] {strides = array<i32>} : memref<4096xf32, #tpu.memory_space<vmem>>, vector<16xf32>,
      tpu.vector_store %arg8[%swap3A_315], %broadcast_in_dim3A_312 {strides = array<i32>} : memref<4096xf32, #tpu.memory_space<vmem>>, vector<16xf32>,
    }
    %scan3A_7 = arith.constant 256 : i32
    %broadcast_in_dim3A = arith.constant 0 : i32
    %broadcast_in_dim3A_8 = vector.broadcast %broadcast_in_dim3A : i32 to vector<16xi32>
    %swap3A = arith.constant 0 : index
    %swap3A_9 = tpu.vector_load %arg6[%swap3A] {strides = array<i32>} : memref<128xi32, #tpu.memory_space<vmem>>, vector<16xi32>,
    tpu.vector_store %arg6[%swap3A], %broadcast_in_dim3A_8 {strides = array<i32>} : memref<128xi32, #tpu.memory_space<vmem>>, vector<16xi32>,
    %broadcast_in_dim3A_10 = arith.constant 0 : i32
    %broadcast_in_dim3A_11 = vector.broadcast %broadcast_in_dim3A_10 : i32 to vector<16xi32>
    %swap3A_12 = arith.constant 16 : index
    %swap3A_13 = tpu.vector_load %arg6[%swap3A_12] {strides = array<i32>} : memref<128xi32, #tpu.memory_space<vmem>>, vector<16xi32>,
    tpu.vector_store %arg6[%swap3A_12], %broadcast_in_dim3A_11 {strides = array<i32>} : memref<128xi32, #tpu.memory_space<vmem>>, vector<16xi32>,
    %broadcast_in_dim3A_14 = arith.constant 0 : i32
    %broadcast_in_dim3A_15 = vector.broadcast %broadcast_in_dim3A_14 : i32 to vector<16xi32>
    %swap3A_16 = arith.constant 32 : index
    %swap3A_17 = tpu.vector_load %arg6[%swap3A_16] {strides = array<i32>} : memref<128xi32, #tpu.memory_space<vmem>>, vector<16xi32>,
    tpu.vector_store %arg6[%swap3A_16], %broadcast_in_dim3A_15 {strides = array<i32>} : memref<128xi32, #tpu.memory_space<vmem>>, vector<16xi32>,
    %broadcast_in_dim3A_18 = arith.constant 0 : i32
    %broadcast_in_dim3A_19 = vector.broadcast %broadcast_in_dim3A_18 : i32 to vector<16xi32>
    %swap3A_20 = arith.constant 48 : index
    %swap3A_21 = tpu.vector_load %arg6[%swap3A_20] {strides = array<i32>} : memref<128xi32, #tpu.memory_space<vmem>>, vector<16xi32>,
    tpu.vector_store %arg6[%swap3A_20], %broadcast_in_dim3A_19 {strides = array<i32>} : memref<128xi32, #tpu.memory_space<vmem>>, vector<16xi32>,
    %broadcast_in_dim3A_22 = arith.constant 0 : i32
    %broadcast_in_dim3A_23 = vector.broadcast %broadcast_in_dim3A_22 : i32 to vector<16xi32>
    %swap3A_24 = arith.constant 64 : index
    %swap3A_25 = tpu.vector_load %arg6[%swap3A_24] {strides = array<i32>} : memref<128xi32, #tpu.memory_space<vmem>>, vector<16xi32>,
    tpu.vector_store %arg6[%swap3A_24], %broadcast_in_dim3A_23 {strides = array<i32>} : memref<128xi32, #tpu.memory_space<vmem>>, vector<16xi32>,
    %broadcast_in_dim3A_26 = arith.constant 0 : i32
    %broadcast_in_dim3A_27 = vector.broadcast %broadcast_in_dim3A_26 : i32 to vector<16xi32>
    %swap3A_28 = arith.constant 80 : index
    %swap3A_29 = tpu.vector_load %arg6[%swap3A_28] {strides = array<i32>} : memref<128xi32, #tpu.memory_space<vmem>>, vector<16xi32>,
    tpu.vector_store %arg6[%swap3A_28], %broadcast_in_dim3A_27 {strides = array<i32>} : memref<128xi32, #tpu.memory_space<vmem>>, vector<16xi32>,
    %broadcast_in_dim3A_30 = arith.constant 0 : i32
    %broadcast_in_dim3A_31 = vector.broadcast %broadcast_in_dim3A_30 : i32 to vector<16xi32>
    %swap3A_32 = arith.constant 96 : index
    %swap3A_33 = tpu.vector_load %arg6[%swap3A_32] {strides = array<i32>} : memref<128xi32, #tpu.memory_space<vmem>>, vector<16xi32>,
    tpu.vector_store %arg6[%swap3A_32], %broadcast_in_dim3A_31 {strides = array<i32>} : memref<128xi32, #tpu.memory_space<vmem>>, vector<16xi32>,
    %broadcast_in_dim3A_34 = arith.constant 0 : i32
    %broadcast_in_dim3A_35 = vector.broadcast %broadcast_in_dim3A_34 : i32 to vector<16xi32>
    %swap3A_36 = arith.constant 112 : index
    %swap3A_37 = tpu.vector_load %arg6[%swap3A_36] {strides = array<i32>} : memref<128xi32, #tpu.memory_space<vmem>>, vector<16xi32>,
    tpu.vector_store %arg6[%swap3A_36], %broadcast_in_dim3A_35 {strides = array<i32>} : memref<128xi32, #tpu.memory_space<vmem>>, vector<16xi32>,
    %get3A = arith.constant 0 : index
    %get3A_38 = tpu.vector_load %arg5[%get3A] {strides = array<i32>} : memref<128xf32, #tpu.memory_space<vmem>>, vector<16xf32>,
    %gt3A = arith.constant 0.000000e+00 : f32
    %gt3A_39 = vector.broadcast %gt3A : f32 to vector<16xf32>
    %gt3A_40 = arith.cmpf ogt, %get3A_38, %gt3A_39 : vector<16xf32>
    %add3A_41 = arith.constant 0 : i32
    %add3A_42 = arith.addi %mul3A_2, %add3A_41 : i32
    %iota3A = tpu.iota {dimensions = array<i32: 0>} : vector<16xi32>
    %add3A_43 = vector.broadcast %add3A_42 : i32 to vector<16xi32>
    %add3A_44 = arith.addi %add3A_43, %iota3A : vector<16xi32>
    %jit3A = arith.constant 1 : i32
    %jit3A_45 = arith.constant 0 : i32
    %broadcast_in_dim3A_46 = vector.broadcast %jit3A : i32 to vector<16xi32>
    %broadcast_in_dim3A_47 = vector.broadcast %jit3A_45 : i32 to vector<16xi32>
    %select_n3A = arith.select %gt3A_40, %broadcast_in_dim3A_46, %broadcast_in_dim3A_47 : vector<16xi1>, vector<16xi32>
    %broadcast_in_dim3A_48 = arith.constant true
    %broadcast_in_dim3A_49 = vector.broadcast %broadcast_in_dim3A_48 : i1 to vector<16xi1>
    %masked_cumsum3A = tpu.scan <sum>, %select_n3A masked %broadcast_in_dim3A_49 : vector<16xi32>, vector<16xi1> -> vector<16xi32>
    %sub3A = arith.constant 0 : i32
    %sub3A_50 = arith.constant 1 : i32
    %sub3A_51 = arith.subi %sub3A, %sub3A_50 : i32
    %add3A_52 = vector.broadcast %sub3A_51 : i32 to vector<16xi32>
    %add3A_53 = arith.addi %masked_cumsum3A, %add3A_52 : vector<16xi32>
    tpu.vector_store_idx %arg6[%add3A_53], %add3A_44 masked %gt3A_40 : memref<128xi32, #tpu.memory_space<vmem>>[vector<16xi32>], vector<16xi32>, vector<16xi1>
    %reduce_sum3A = arith.constant true
    %reduce_sum3A_54 = vector.broadcast %reduce_sum3A : i1 to vector<16xi1>
    %reduce_sum3A_55 = tpu.scan <sum>, %select_n3A masked %reduce_sum3A_54 : vector<16xi32>, vector<16xi1> -> vector<16xi32>
    %reduce_sum3A_56 = vector.extract %reduce_sum3A_55[15] : i32 from vector<16xi32>
    %add3A_57 = arith.constant 0 : i32
    %add3A_58 = arith.addi %add3A_57, %reduce_sum3A_56 : i32
    %get3A_59 = arith.constant 16 : index
    %get3A_60 = tpu.vector_load %arg5[%get3A_59] {strides = array<i32>} : memref<128xf32, #tpu.memory_space<vmem>>, vector<16xf32>,
    %gt3A_61 = arith.constant 0.000000e+00 : f32
    %gt3A_62 = vector.broadcast %gt3A_61 : f32 to vector<16xf32>
    %gt3A_63 = arith.cmpf ogt, %get3A_60, %gt3A_62 : vector<16xf32>
    %add3A_64 = arith.constant 16 : i32
    %add3A_65 = arith.addi %mul3A_2, %add3A_64 : i32
    %iota3A_66 = tpu.iota {dimensions = array<i32: 0>} : vector<16xi32>
    %add3A_67 = vector.broadcast %add3A_65 : i32 to vector<16xi32>
    %add3A_68 = arith.addi %add3A_67, %iota3A_66 : vector<16xi32>
    %jit3A_69 = arith.constant 1 : i32
    %jit3A_70 = arith.constant 0 : i32
    %broadcast_in_dim3A_71 = vector.broadcast %jit3A_69 : i32 to vector<16xi32>
    %broadcast_in_dim3A_72 = vector.broadcast %jit3A_70 : i32 to vector<16xi32>
    %select_n3A_73 = arith.select %gt3A_63, %broadcast_in_dim3A_71, %broadcast_in_dim3A_72 : vector<16xi1>, vector<16xi32>
    %broadcast_in_dim3A_74 = arith.constant true
    %broadcast_in_dim3A_75 = vector.broadcast %broadcast_in_dim3A_74 : i1 to vector<16xi1>
    %masked_cumsum3A_76 = tpu.scan <sum>, %select_n3A_73 masked %broadcast_in_dim3A_75 : vector<16xi32>, vector<16xi1> -> vector<16xi32>
    %sub3A_77 = arith.constant 1 : i32
    %sub3A_78 = arith.subi %add3A_58, %sub3A_77 : i32
    %add3A_79 = vector.broadcast %sub3A_78 : i32 to vector<16xi32>
    %add3A_80 = arith.addi %masked_cumsum3A_76, %add3A_79 : vector<16xi32>
    tpu.vector_store_idx %arg6[%add3A_80], %add3A_68 masked %gt3A_63 : memref<128xi32, #tpu.memory_space<vmem>>[vector<16xi32>], vector<16xi32>, vector<16xi1>
    %reduce_sum3A_81 = arith.constant true
    %reduce_sum3A_82 = vector.broadcast %reduce_sum3A_81 : i1 to vector<16xi1>
    %reduce_sum3A_83 = tpu.scan <sum>, %select_n3A_73 masked %reduce_sum3A_82 : vector<16xi32>, vector<16xi1> -> vector<16xi32>
    %reduce_sum3A_84 = vector.extract %reduce_sum3A_83[15] : i32 from vector<16xi32>
    %add3A_85 = arith.addi %add3A_58, %reduce_sum3A_84 : i32
    %get3A_86 = arith.constant 32 : index
    %get3A_87 = tpu.vector_load %arg5[%get3A_86] {strides = array<i32>} : memref<128xf32, #tpu.memory_space<vmem>>, vector<16xf32>,
    %gt3A_88 = arith.constant 0.000000e+00 : f32
    %gt3A_89 = vector.broadcast %gt3A_88 : f32 to vector<16xf32>
    %gt3A_90 = arith.cmpf ogt, %get3A_87, %gt3A_89 : vector<16xf32>
    %add3A_91 = arith.constant 32 : i32
    %add3A_92 = arith.addi %mul3A_2, %add3A_91 : i32
    %iota3A_93 = tpu.iota {dimensions = array<i32: 0>} : vector<16xi32>
    %add3A_94 = vector.broadcast %add3A_92 : i32 to vector<16xi32>
    %add3A_95 = arith.addi %add3A_94, %iota3A_93 : vector<16xi32>
    %jit3A_96 = arith.constant 1 : i32
    %jit3A_97 = arith.constant 0 : i32
    %broadcast_in_dim3A_98 = vector.broadcast %jit3A_96 : i32 to vector<16xi32>
    %broadcast_in_dim3A_99 = vector.broadcast %jit3A_97 : i32 to vector<16xi32>
    %select_n3A_100 = arith.select %gt3A_90, %broadcast_in_dim3A_98, %broadcast_in_dim3A_99 : vector<16xi1>, vector<16xi32>
    %broadcast_in_dim3A_101 = arith.constant true
    %broadcast_in_dim3A_102 = vector.broadcast %broadcast_in_dim3A_101 : i1 to vector<16xi1>
    %masked_cumsum3A_103 = tpu.scan <sum>, %select_n3A_100 masked %broadcast_in_dim3A_102 : vector<16xi32>, vector<16xi1> -> vector<16xi32>
    %sub3A_104 = arith.constant 1 : i32
    %sub3A_105 = arith.subi %add3A_85, %sub3A_104 : i32
    %add3A_106 = vector.broadcast %sub3A_105 : i32 to vector<16xi32>
    %add3A_107 = arith.addi %masked_cumsum3A_103, %add3A_106 : vector<16xi32>
    tpu.vector_store_idx %arg6[%add3A_107], %add3A_95 masked %gt3A_90 : memref<128xi32, #tpu.memory_space<vmem>>[vector<16xi32>], vector<16xi32>, vector<16xi1>
    %reduce_sum3A_108 = arith.constant true
    %reduce_sum3A_109 = vector.broadcast %reduce_sum3A_108 : i1 to vector<16xi1>
    %reduce_sum3A_110 = tpu.scan <sum>, %select_n3A_100 masked %reduce_sum3A_109 : vector<16xi32>, vector<16xi1> -> vector<16xi32>
    %reduce_sum3A_111 = vector.extract %reduce_sum3A_110[15] : i32 from vector<16xi32>
    %add3A_112 = arith.addi %add3A_85, %reduce_sum3A_111 : i32
    %get3A_113 = arith.constant 48 : index
    %get3A_114 = tpu.vector_load %arg5[%get3A_113] {strides = array<i32>} : memref<128xf32, #tpu.memory_space<vmem>>, vector<16xf32>,
    %gt3A_115 = arith.constant 0.000000e+00 : f32
    %gt3A_116 = vector.broadcast %gt3A_115 : f32 to vector<16xf32>
    %gt3A_117 = arith.cmpf ogt, %get3A_114, %gt3A_116 : vector<16xf32>
    %add3A_118 = arith.constant 48 : i32
    %add3A_119 = arith.addi %mul3A_2, %add3A_118 : i32
    %iota3A_120 = tpu.iota {dimensions = array<i32: 0>} : vector<16xi32>
    %add3A_121 = vector.broadcast %add3A_119 : i32 to vector<16xi32>
    %add3A_122 = arith.addi %add3A_121, %iota3A_120 : vector<16xi32>
    %jit3A_123 = arith.constant 1 : i32
    %jit3A_124 = arith.constant 0 : i32
    %broadcast_in_dim3A_125 = vector.broadcast %jit3A_123 : i32 to vector<16xi32>
    %broadcast_in_dim3A_126 = vector.broadcast %jit3A_124 : i32 to vector<16xi32>
    %select_n3A_127 = arith.select %gt3A_117, %broadcast_in_dim3A_125, %broadcast_in_dim3A_126 : vector<16xi1>, vector<16xi32>
    %broadcast_in_dim3A_128 = arith.constant true
    %broadcast_in_dim3A_129 = vector.broadcast %broadcast_in_dim3A_128 : i1 to vector<16xi1>
    %masked_cumsum3A_130 = tpu.scan <sum>, %select_n3A_127 masked %broadcast_in_dim3A_129 : vector<16xi32>, vector<16xi1> -> vector<16xi32>
    %sub3A_131 = arith.constant 1 : i32
    %sub3A_132 = arith.subi %add3A_112, %sub3A_131 : i32
    %add3A_133 = vector.broadcast %sub3A_132 : i32 to vector<16xi32>
    %add3A_134 = arith.addi %masked_cumsum3A_130, %add3A_133 : vector<16xi32>
    tpu.vector_store_idx %arg6[%add3A_134], %add3A_122 masked %gt3A_117 : memref<128xi32, #tpu.memory_space<vmem>>[vector<16xi32>], vector<16xi32>, vector<16xi1>
    %reduce_sum3A_135 = arith.constant true
    %reduce_sum3A_136 = vector.broadcast %reduce_sum3A_135 : i1 to vector<16xi1>
    %reduce_sum3A_137 = tpu.scan <sum>, %select_n3A_127 masked %reduce_sum3A_136 : vector<16xi32>, vector<16xi1> -> vector<16xi32>
    %reduce_sum3A_138 = vector.extract %reduce_sum3A_137[15] : i32 from vector<16xi32>
    %add3A_139 = arith.addi %add3A_112, %reduce_sum3A_138 : i32
    %get3A_140 = arith.constant 64 : index
    %get3A_141 = tpu.vector_load %arg5[%get3A_140] {strides = array<i32>} : memref<128xf32, #tpu.memory_space<vmem>>, vector<16xf32>,
    %gt3A_142 = arith.constant 0.000000e+00 : f32
    %gt3A_143 = vector.broadcast %gt3A_142 : f32 to vector<16xf32>
    %gt3A_144 = arith.cmpf ogt, %get3A_141, %gt3A_143 : vector<16xf32>
    %add3A_145 = arith.constant 64 : i32
    %add3A_146 = arith.addi %mul3A_2, %add3A_145 : i32
    %iota3A_147 = tpu.iota {dimensions = array<i32: 0>} : vector<16xi32>
    %add3A_148 = vector.broadcast %add3A_146 : i32 to vector<16xi32>
    %add3A_149 = arith.addi %add3A_148, %iota3A_147 : vector<16xi32>
    %jit3A_150 = arith.constant 1 : i32
    %jit3A_151 = arith.constant 0 : i32
    %broadcast_in_dim3A_152 = vector.broadcast %jit3A_150 : i32 to vector<16xi32>
    %broadcast_in_dim3A_153 = vector.broadcast %jit3A_151 : i32 to vector<16xi32>
    %select_n3A_154 = arith.select %gt3A_144, %broadcast_in_dim3A_152, %broadcast_in_dim3A_153 : vector<16xi1>, vector<16xi32>
    %broadcast_in_dim3A_155 = arith.constant true
    %broadcast_in_dim3A_156 = vector.broadcast %broadcast_in_dim3A_155 : i1 to vector<16xi1>
    %masked_cumsum3A_157 = tpu.scan <sum>, %select_n3A_154 masked %broadcast_in_dim3A_156 : vector<16xi32>, vector<16xi1> -> vector<16xi32>
    %sub3A_158 = arith.constant 1 : i32
    %sub3A_159 = arith.subi %add3A_139, %sub3A_158 : i32
    %add3A_160 = vector.broadcast %sub3A_159 : i32 to vector<16xi32>
    %add3A_161 = arith.addi %masked_cumsum3A_157, %add3A_160 : vector<16xi32>
    tpu.vector_store_idx %arg6[%add3A_161], %add3A_149 masked %gt3A_144 : memref<128xi32, #tpu.memory_space<vmem>>[vector<16xi32>], vector<16xi32>, vector<16xi1>
    %reduce_sum3A_162 = arith.constant true
    %reduce_sum3A_163 = vector.broadcast %reduce_sum3A_162 : i1 to vector<16xi1>
    %reduce_sum3A_164 = tpu.scan <sum>, %select_n3A_154 masked %reduce_sum3A_163 : vector<16xi32>, vector<16xi1> -> vector<16xi32>
    %reduce_sum3A_165 = vector.extract %reduce_sum3A_164[15] : i32 from vector<16xi32>
    %add3A_166 = arith.addi %add3A_139, %reduce_sum3A_165 : i32
    %get3A_167 = arith.constant 80 : index
    %get3A_168 = tpu.vector_load %arg5[%get3A_167] {strides = array<i32>} : memref<128xf32, #tpu.memory_space<vmem>>, vector<16xf32>,
    %gt3A_169 = arith.constant 0.000000e+00 : f32
    %gt3A_170 = vector.broadcast %gt3A_169 : f32 to vector<16xf32>
    %gt3A_171 = arith.cmpf ogt, %get3A_168, %gt3A_170 : vector<16xf32>
    %add3A_172 = arith.constant 80 : i32
    %add3A_173 = arith.addi %mul3A_2, %add3A_172 : i32
    %iota3A_174 = tpu.iota {dimensions = array<i32: 0>} : vector<16xi32>
    %add3A_175 = vector.broadcast %add3A_173 : i32 to vector<16xi32>
    %add3A_176 = arith.addi %add3A_175, %iota3A_174 : vector<16xi32>
    %jit3A_177 = arith.constant 1 : i32
    %jit3A_178 = arith.constant 0 : i32
    %broadcast_in_dim3A_179 = vector.broadcast %jit3A_177 : i32 to vector<16xi32>
    %broadcast_in_dim3A_180 = vector.broadcast %jit3A_178 : i32 to vector<16xi32>
    %select_n3A_181 = arith.select %gt3A_171, %broadcast_in_dim3A_179, %broadcast_in_dim3A_180 : vector<16xi1>, vector<16xi32>
    %broadcast_in_dim3A_182 = arith.constant true
    %broadcast_in_dim3A_183 = vector.broadcast %broadcast_in_dim3A_182 : i1 to vector<16xi1>
    %masked_cumsum3A_184 = tpu.scan <sum>, %select_n3A_181 masked %broadcast_in_dim3A_183 : vector<16xi32>, vector<16xi1> -> vector<16xi32>
    %sub3A_185 = arith.constant 1 : i32
    %sub3A_186 = arith.subi %add3A_166, %sub3A_185 : i32
    %add3A_187 = vector.broadcast %sub3A_186 : i32 to vector<16xi32>
    %add3A_188 = arith.addi %masked_cumsum3A_184, %add3A_187 : vector<16xi32>
    tpu.vector_store_idx %arg6[%add3A_188], %add3A_176 masked %gt3A_171 : memref<128xi32, #tpu.memory_space<vmem>>[vector<16xi32>], vector<16xi32>, vector<16xi1>
    %reduce_sum3A_189 = arith.constant true
    %reduce_sum3A_190 = vector.broadcast %reduce_sum3A_189 : i1 to vector<16xi1>
    %reduce_sum3A_191 = tpu.scan <sum>, %select_n3A_181 masked %reduce_sum3A_190 : vector<16xi32>, vector<16xi1> -> vector<16xi32>
    %reduce_sum3A_192 = vector.extract %reduce_sum3A_191[15] : i32 from vector<16xi32>
    %add3A_193 = arith.addi %add3A_166, %reduce_sum3A_192 : i32
    %get3A_194 = arith.constant 96 : index
    %get3A_195 = tpu.vector_load %arg5[%get3A_194] {strides = array<i32>} : memref<128xf32, #tpu.memory_space<vmem>>, vector<16xf32>,
    %gt3A_196 = arith.constant 0.000000e+00 : f32
    %gt3A_197 = vector.broadcast %gt3A_196 : f32 to vector<16xf32>
    %gt3A_198 = arith.cmpf ogt, %get3A_195, %gt3A_197 : vector<16xf32>
    %add3A_199 = arith.constant 96 : i32
    %add3A_200 = arith.addi %mul3A_2, %add3A_199 : i32
    %iota3A_201 = tpu.iota {dimensions = array<i32: 0>} : vector<16xi32>
    %add3A_202 = vector.broadcast %add3A_200 : i32 to vector<16xi32>
    %add3A_203 = arith.addi %add3A_202, %iota3A_201 : vector<16xi32>
    %jit3A_204 = arith.constant 1 : i32
    %jit3A_205 = arith.constant 0 : i32
    %broadcast_in_dim3A_206 = vector.broadcast %jit3A_204 : i32 to vector<16xi32>
    %broadcast_in_dim3A_207 = vector.broadcast %jit3A_205 : i32 to vector<16xi32>
    %select_n3A_208 = arith.select %gt3A_198, %broadcast_in_dim3A_206, %broadcast_in_dim3A_207 : vector<16xi1>, vector<16xi32>
    %broadcast_in_dim3A_209 = arith.constant true
    %broadcast_in_dim3A_210 = vector.broadcast %broadcast_in_dim3A_209 : i1 to vector<16xi1>
    %masked_cumsum3A_211 = tpu.scan <sum>, %select_n3A_208 masked %broadcast_in_dim3A_210 : vector<16xi32>, vector<16xi1> -> vector<16xi32>
    %sub3A_212 = arith.constant 1 : i32
    %sub3A_213 = arith.subi %add3A_193, %sub3A_212 : i32
    %add3A_214 = vector.broadcast %sub3A_213 : i32 to vector<16xi32>
    %add3A_215 = arith.addi %masked_cumsum3A_211, %add3A_214 : vector<16xi32>
    tpu.vector_store_idx %arg6[%add3A_215], %add3A_203 masked %gt3A_198 : memref<128xi32, #tpu.memory_space<vmem>>[vector<16xi32>], vector<16xi32>, vector<16xi1>
    %reduce_sum3A_216 = arith.constant true
    %reduce_sum3A_217 = vector.broadcast %reduce_sum3A_216 : i1 to vector<16xi1>
    %reduce_sum3A_218 = tpu.scan <sum>, %select_n3A_208 masked %reduce_sum3A_217 : vector<16xi32>, vector<16xi1> -> vector<16xi32>
    %reduce_sum3A_219 = vector.extract %reduce_sum3A_218[15] : i32 from vector<16xi32>
    %add3A_220 = arith.addi %add3A_193, %reduce_sum3A_219 : i32
    %get3A_221 = arith.constant 112 : index
    %get3A_222 = tpu.vector_load %arg5[%get3A_221] {strides = array<i32>} : memref<128xf32, #tpu.memory_space<vmem>>, vector<16xf32>,
    %gt3A_223 = arith.constant 0.000000e+00 : f32
    %gt3A_224 = vector.broadcast %gt3A_223 : f32 to vector<16xf32>
    %gt3A_225 = arith.cmpf ogt, %get3A_222, %gt3A_224 : vector<16xf32>
    %add3A_226 = arith.constant 112 : i32
    %add3A_227 = arith.addi %mul3A_2, %add3A_226 : i32
    %iota3A_228 = tpu.iota {dimensions = array<i32: 0>} : vector<16xi32>
    %add3A_229 = vector.broadcast %add3A_227 : i32 to vector<16xi32>
    %add3A_230 = arith.addi %add3A_229, %iota3A_228 : vector<16xi32>
    %jit3A_231 = arith.constant 1 : i32
    %jit3A_232 = arith.constant 0 : i32
    %broadcast_in_dim3A_233 = vector.broadcast %jit3A_231 : i32 to vector<16xi32>
    %broadcast_in_dim3A_234 = vector.broadcast %jit3A_232 : i32 to vector<16xi32>
    %select_n3A_235 = arith.select %gt3A_225, %broadcast_in_dim3A_233, %broadcast_in_dim3A_234 : vector<16xi1>, vector<16xi32>
    %broadcast_in_dim3A_236 = arith.constant true
    %broadcast_in_dim3A_237 = vector.broadcast %broadcast_in_dim3A_236 : i1 to vector<16xi1>
    %masked_cumsum3A_238 = tpu.scan <sum>, %select_n3A_235 masked %broadcast_in_dim3A_237 : vector<16xi32>, vector<16xi1> -> vector<16xi32>
    %sub3A_239 = arith.constant 1 : i32
    %sub3A_240 = arith.subi %add3A_220, %sub3A_239 : i32
    %add3A_241 = vector.broadcast %sub3A_240 : i32 to vector<16xi32>
    %add3A_242 = arith.addi %masked_cumsum3A_238, %add3A_241 : vector<16xi32>
    tpu.vector_store_idx %arg6[%add3A_242], %add3A_230 masked %gt3A_225 : memref<128xi32, #tpu.memory_space<vmem>>[vector<16xi32>], vector<16xi32>, vector<16xi1>
    %reduce_sum3A_243 = arith.constant true
    %reduce_sum3A_244 = vector.broadcast %reduce_sum3A_243 : i1 to vector<16xi1>
    %reduce_sum3A_245 = tpu.scan <sum>, %select_n3A_235 masked %reduce_sum3A_244 : vector<16xi32>, vector<16xi1> -> vector<16xi32>
    %reduce_sum3A_246 = vector.extract %reduce_sum3A_245[15] : i32 from vector<16xi32>
    %add3A_247 = arith.addi %add3A_220, %reduce_sum3A_246 : i32
    %add3A_248 = arith.constant 7 : i32
    %add3A_249 = arith.addi %add3A_247, %add3A_248 : i32
    %jit3A_250 = arith.constant 8 : i32
    %div3A = arith.divsi %add3A_249, %jit3A_250 : i32
    %sign3A = arith.constant 0 : i32
    %sign3A_251 = arith.cmpi sgt, %add3A_249, %sign3A : i32
    %sign3A_252 = arith.extui %sign3A_251 : i1 to i32
    %sign3A_253 = arith.constant 0 : i32
    %sign3A_254 = arith.cmpi slt, %add3A_249, %sign3A_253 : i32
    %sign3A_255 = arith.extui %sign3A_254 : i1 to i32
    %sign3A_256 = arith.subi %sign3A_252, %sign3A_255 : i32
    %sign3A_257 = arith.constant 0 : i32
    %sign3A_258 = arith.cmpi sgt, %jit3A_250, %sign3A_257 : i32
    %sign3A_259 = arith.extui %sign3A_258 : i1 to i32
    %sign3A_260 = arith.constant 0 : i32
    %sign3A_261 = arith.cmpi slt, %jit3A_250, %sign3A_260 : i32
    %sign3A_262 = arith.extui %sign3A_261 : i1 to i32
    %sign3A_263 = arith.subi %sign3A_259, %sign3A_262 : i32
    %ne3A = arith.cmpi ne, %sign3A_256, %sign3A_263 : i32
    %rem3A = arith.remsi %add3A_249, %jit3A_250 : i32
    %ne3A_264 = arith.constant 0 : i32
    %ne3A_265 = arith.cmpi ne, %rem3A, %ne3A_264 : i32
    %and3A = arith.andi %ne3A, %ne3A_265 : i1
    %sub3A_266 = arith.constant 1 : i32
    %sub3A_267 = arith.subi %div3A, %sub3A_266 : i32
    %select_n3A_268 = arith.select %and3A, %sub3A_267, %div3A : i32
    %jit3A_269 = arith.constant 8 : i32
    %div3A_270 = arith.divsi %add3A_247, %jit3A_269 : i32
    %sign3A_271 = arith.constant 0 : i32
    %sign3A_272 = arith.cmpi sgt, %add3A_247, %sign3A_271 : i32
    %sign3A_273 = arith.extui %sign3A_272 : i1 to i32
    %sign3A_274 = arith.constant 0 : i32
    %sign3A_275 = arith.cmpi slt, %add3A_247, %sign3A_274 : i32
    %sign3A_276 = arith.extui %sign3A_275 : i1 to i32
    %sign3A_277 = arith.subi %sign3A_273, %sign3A_276 : i32
    %sign3A_278 = arith.constant 0 : i32
    %sign3A_279 = arith.cmpi sgt, %jit3A_269, %sign3A_278 : i32
    %sign3A_280 = arith.extui %sign3A_279 : i1 to i32
    %sign3A_281 = arith.constant 0 : i32
    %sign3A_282 = arith.cmpi slt, %jit3A_269, %sign3A_281 : i32
    %sign3A_283 = arith.extui %sign3A_282 : i1 to i32
    %sign3A_284 = arith.subi %sign3A_280, %sign3A_283 : i32
    %ne3A_285 = arith.cmpi ne, %sign3A_277, %sign3A_284 : i32
    %rem3A_286 = arith.remsi %add3A_247, %jit3A_269 : i32
    %ne3A_287 = arith.constant 0 : i32
    %ne3A_288 = arith.cmpi ne, %rem3A_286, %ne3A_287 : i32
    %and3A_289 = arith.andi %ne3A_285, %ne3A_288 : i1
    %sub3A_290 = arith.constant 1 : i32
    %sub3A_291 = arith.subi %div3A_270, %sub3A_290 : i32
    %select_n3A_292 = arith.select %and3A_289, %sub3A_291, %div3A_270 : i32
    %gt3A_293 = arith.constant 0 : i32
    %gt3A_294 = arith.cmpi sgt, %select_n3A_268, %gt3A_293 : i32
    %convert_element_type3A = arith.extui %gt3A_294 : i1 to i32
    %cond3A = arith.constant 0 : i32
    %cond3A_295 = arith.cmpi ne, %convert_element_type3A, %cond3A : i32
    scf.if %cond3A_295 {
      %dma_start3A = arith.constant 0 : i32
      %dma_start3A_310 = arith.constant 0 : i32
      %dma_start3A_311 = tpu.memref_slice %arg7[%dma_start3A, %dma_start3A_310] : memref<24x4096xf32, #tpu.memory_space<vmem>> -> memref<8x4096xf32, #tpu.memory_space<vmem>>
      %dma_start3A_312 = arith.constant 0 : i32
      %dma_start3A_313 = tpu.memref_slice %arg6[%dma_start3A_312] : memref<128xi32, #tpu.memory_space<vmem>> -> memref<8xi32, #tpu.memory_space<vmem>>
      %dma_start3A_314 = arith.constant 0 : i32
      %dma_start3A_315 = arith.constant 0 : i32
      %dma_start3A_316 = tpu.memref_slice %arg3[%dma_start3A_314, %dma_start3A_315] : memref<4096x4096xf32, #tpu.memory_space<hbm>> -> memref<4096x4096xf32, #tpu.memory_space<hbm>>
      tpu.enqueue_indirect_dma source(%dma_start3A_316 : memref<4096x4096xf32, #tpu.memory_space<hbm>>) target(%dma_start3A_311 : memref<8x4096xf32, #tpu.memory_space<vmem>>) offsets(%dma_start3A_313 : memref<8xi32, #tpu.memory_space<vmem>>) semaphore(%arg9 : memref<!tpu.dma_semaphore, #tpu.memory_space<semaphore_mem>>)
    } else {
    }
    %gt3A_296 = arith.constant 1 : i32
    %gt3A_297 = arith.cmpi sgt, %select_n3A_268, %gt3A_296 : i32
    %convert_element_type3A_298 = arith.extui %gt3A_297 : i1 to i32
    %cond3A_299 = arith.constant 0 : i32
    %cond3A_300 = arith.cmpi ne, %convert_element_type3A_298, %cond3A_299 : i32
    scf.if %cond3A_300 {
      %dma_start3A = arith.constant 8 : i32
      %dma_start3A_310 = arith.constant 0 : i32
      %dma_start3A_311 = tpu.memref_slice %arg7[%dma_start3A, %dma_start3A_310] : memref<24x4096xf32, #tpu.memory_space<vmem>> -> memref<8x4096xf32, #tpu.memory_space<vmem>>
      %dma_start3A_312 = arith.constant 8 : i32
      %dma_start3A_313 = tpu.memref_slice %arg6[%dma_start3A_312] : memref<128xi32, #tpu.memory_space<vmem>> -> memref<8xi32, #tpu.memory_space<vmem>>
      %dma_start3A_314 = arith.constant 0 : i32
      %dma_start3A_315 = arith.constant 0 : i32
      %dma_start3A_316 = tpu.memref_slice %arg3[%dma_start3A_314, %dma_start3A_315] : memref<4096x4096xf32, #tpu.memory_space<hbm>> -> memref<4096x4096xf32, #tpu.memory_space<hbm>>
      tpu.enqueue_indirect_dma source(%dma_start3A_316 : memref<4096x4096xf32, #tpu.memory_space<hbm>>) target(%dma_start3A_311 : memref<8x4096xf32, #tpu.memory_space<vmem>>) offsets(%dma_start3A_313 : memref<8xi32, #tpu.memory_space<vmem>>) semaphore(%arg9 : memref<!tpu.dma_semaphore, #tpu.memory_space<semaphore_mem>>)
    } else {
    }
    %while3A = arith.constant 0 : i32
    %while3A_301 = arith.constant 0 : i32
    %while3A_302 = arith.subi %select_n3A_268, %while3A_301 : i32
    %while3A_303 = arith.addi %while3A_301, %while3A_302 : i32
    %while3A_304 = arith.constant 1 : i32
    %while3A_305 = arith.divsi %while3A_302, %while3A_304 : i32
    %while3A_306 = arith.muli %while3A_305, %while3A_304 : i32
    %while3A_307 = arith.addi %while3A_301, %while3A_306 : i32
    %while3A_308 = arith.constant 1 : i32
    scf.for %while3A_310 = %while3A_301 to %while3A_307 step %while3A_308  : i32 {
      %rem3A_311 = arith.constant 3 : i32
      %rem3A_312 = arith.remsi %while3A_310, %rem3A_311 : i32
      %mul3A_313 = arith.constant 8 : i32
      %mul3A_314 = arith.muli %rem3A_312, %mul3A_313 : i32
      %dma_wait3A = arith.constant 0 : i32
      %dma_wait3A_315 = tpu.memref_slice %arg7[%mul3A_314, %dma_wait3A] : memref<24x4096xf32, #tpu.memory_space<vmem>> -> memref<8x4096xf32, #tpu.memory_space<vmem>>
      %dma_wait3A_316 = arith.constant 0 : i32
      %dma_wait3A_317 = tpu.memref_slice %arg6[%dma_wait3A_316] : memref<128xi32, #tpu.memory_space<vmem>> -> memref<8xi32, #tpu.memory_space<vmem>>
      %dma_wait3A_318 = arith.constant 0 : i32
      %dma_wait3A_319 = arith.constant 0 : i32
      %dma_wait3A_320 = tpu.memref_slice %arg3[%dma_wait3A_318, %dma_wait3A_319] : memref<4096x4096xf32, #tpu.memory_space<hbm>> -> memref<4096x4096xf32, #tpu.memory_space<hbm>>
      tpu.wait_indirect_dma semaphore(%arg9 : memref<!tpu.dma_semaphore, #tpu.memory_space<semaphore_mem>>) src(%dma_wait3A_320 : memref<4096x4096xf32, #tpu.memory_space<hbm>>) dst(%dma_wait3A_315 : memref<8x4096xf32, #tpu.memory_space<vmem>>)
      %add3A_321 = arith.constant 2 : i32
      %add3A_322 = arith.addi %while3A_310, %add3A_321 : i32
      %lt3A = arith.cmpi slt, %add3A_322, %select_n3A_268 : i32
      %convert_element_type3A_323 = arith.extui %lt3A : i1 to i32
      %cond3A_324 = arith.constant 0 : i32
      %cond3A_325 = arith.cmpi ne, %convert_element_type3A_323, %cond3A_324 : i32
      scf.if %cond3A_325 {
        %add3A_335 = arith.constant 2 : i32
        %add3A_336 = arith.addi %while3A_310, %add3A_335 : i32
        %add3A_337 = arith.constant 2 : i32
        %add3A_338 = arith.addi %while3A_310, %add3A_337 : i32
        %rem3A_339 = arith.constant 3 : i32
        %rem3A_340 = arith.remsi %add3A_338, %rem3A_339 : i32
        %mul3A_341 = arith.constant 8 : i32
        %mul3A_342 = arith.muli %add3A_336, %mul3A_341 : i32
        %mul3A_343 = arith.constant 8 : i32
        %mul3A_344 = arith.muli %rem3A_340, %mul3A_343 : i32
        %dma_start3A = arith.constant 0 : i32
        %dma_start3A_345 = tpu.memref_slice %arg7[%mul3A_344, %dma_start3A] : memref<24x4096xf32, #tpu.memory_space<vmem>> -> memref<8x4096xf32, #tpu.memory_space<vmem>>
        %dma_start3A_346 = tpu.memref_slice %arg6[%mul3A_342] : memref<128xi32, #tpu.memory_space<vmem>> -> memref<8xi32, #tpu.memory_space<vmem>>
        %dma_start3A_347 = arith.constant 0 : i32
        %dma_start3A_348 = arith.constant 0 : i32
        %dma_start3A_349 = tpu.memref_slice %arg3[%dma_start3A_347, %dma_start3A_348] : memref<4096x4096xf32, #tpu.memory_space<hbm>> -> memref<4096x4096xf32, #tpu.memory_space<hbm>>
        tpu.enqueue_indirect_dma source(%dma_start3A_349 : memref<4096x4096xf32, #tpu.memory_space<hbm>>) target(%dma_start3A_345 : memref<8x4096xf32, #tpu.memory_space<vmem>>) offsets(%dma_start3A_346 : memref<8xi32, #tpu.memory_space<vmem>>) semaphore(%arg9 : memref<!tpu.dma_semaphore, #tpu.memory_space<semaphore_mem>>)
      } else {
      }
      %mul3A_326 = arith.constant 8 : i32
      %mul3A_327 = arith.muli %rem3A_312, %mul3A_326 : i32
      %lt3A_328 = arith.cmpi slt, %while3A_310, %select_n3A_292 : i32
      %convert_element_type3A_329 = arith.extui %lt3A_328 : i1 to i32
      %cond3A_330 = arith.constant 0 : i32
      %cond3A_331 = arith.cmpi ne, %convert_element_type3A_329, %cond3A_330 : i32
      scf.if %cond3A_331 {
        %scan3A_335 = arith.constant 0 : i32
        %scan3A_336 = arith.constant 0 : i32
        %scan3A_337 = arith.constant 256 : i32
        %scan3A_338 = arith.addi %scan3A_336, %scan3A_337 : i32
        %scan3A_339 = arith.constant 1 : i32
        scf.for %scan3A_341 = %scan3A_336 to %scan3A_338 step %scan3A_339  : i32 {
          %mul3A_342 = arith.constant 16 : i32
          %mul3A_343 = arith.muli %scan3A_341, %mul3A_342 : i32
          %get3A_344 = arith.index_cast %mul3A_343 : i32 to index
          %get3A_345 = tpu.vector_load %arg8[%get3A_344] {strides = array<i32>} : memref<4096xf32, #tpu.memory_space<vmem>>, vector<16xf32>,
          %add3A_346 = arith.constant 0 : i32
          %add3A_347 = arith.addi %mul3A_327, %add3A_346 : i32
          %get3A_348 = arith.index_cast %add3A_347 : i32 to index
          %get3A_349 = arith.index_cast %mul3A_343 : i32 to index
          %get3A_350 = tpu.vector_load %arg7[%get3A_348, %get3A_349] {strides = array<i32>} : memref<24x4096xf32, #tpu.memory_space<vmem>>, vector<16xf32>,
          %pack3A = tpu.pack_subelements %get3A_350, %get3A_350 {pack_format = #tpu.pack_format<interleaved>, positions = array<i32: 0, 1>} : vector<16xf32>, vector<16xf32> -> vector<32xbf16>
          %unpack3A = tpu.unpack_subelements %pack3A, 0 {pack_format = #tpu.pack_format<interleaved>} : vector<32xbf16> -> vector<16xf32>
          %unpack3A_351 = tpu.unpack_subelements %pack3A, 1 {pack_format = #tpu.pack_format<interleaved>} : vector<32xbf16> -> vector<16xf32>
          %add3A_352 = arith.addf %get3A_345, %unpack3A : vector<16xf32>
          %add3A_353 = arith.constant 1 : i32
          %add3A_354 = arith.addi %mul3A_327, %add3A_353 : i32
          %get3A_355 = arith.index_cast %add3A_354 : i32 to index
          %get3A_356 = arith.index_cast %mul3A_343 : i32 to index
          %get3A_357 = tpu.vector_load %arg7[%get3A_355, %get3A_356] {strides = array<i32>} : memref<24x4096xf32, #tpu.memory_space<vmem>>, vector<16xf32>,
          %pack3A_358 = tpu.pack_subelements %get3A_357, %get3A_357 {pack_format = #tpu.pack_format<interleaved>, positions = array<i32: 0, 1>} : vector<16xf32>, vector<16xf32> -> vector<32xbf16>
          %unpack3A_359 = tpu.unpack_subelements %pack3A_358, 0 {pack_format = #tpu.pack_format<interleaved>} : vector<32xbf16> -> vector<16xf32>
          %unpack3A_360 = tpu.unpack_subelements %pack3A_358, 1 {pack_format = #tpu.pack_format<interleaved>} : vector<32xbf16> -> vector<16xf32>
          %add3A_361 = arith.addf %add3A_352, %unpack3A_359 : vector<16xf32>
          %add3A_362 = arith.constant 2 : i32
          %add3A_363 = arith.addi %mul3A_327, %add3A_362 : i32
          %get3A_364 = arith.index_cast %add3A_363 : i32 to index
          %get3A_365 = arith.index_cast %mul3A_343 : i32 to index
          %get3A_366 = tpu.vector_load %arg7[%get3A_364, %get3A_365] {strides = array<i32>} : memref<24x4096xf32, #tpu.memory_space<vmem>>, vector<16xf32>,
          %pack3A_367 = tpu.pack_subelements %get3A_366, %get3A_366 {pack_format = #tpu.pack_format<interleaved>, positions = array<i32: 0, 1>} : vector<16xf32>, vector<16xf32> -> vector<32xbf16>
          %unpack3A_368 = tpu.unpack_subelements %pack3A_367, 0 {pack_format = #tpu.pack_format<interleaved>} : vector<32xbf16> -> vector<16xf32>
          %unpack3A_369 = tpu.unpack_subelements %pack3A_367, 1 {pack_format = #tpu.pack_format<interleaved>} : vector<32xbf16> -> vector<16xf32>
          %add3A_370 = arith.addf %add3A_361, %unpack3A_368 : vector<16xf32>
          %add3A_371 = arith.constant 3 : i32
          %add3A_372 = arith.addi %mul3A_327, %add3A_371 : i32
          %get3A_373 = arith.index_cast %add3A_372 : i32 to index
          %get3A_374 = arith.index_cast %mul3A_343 : i32 to index
          %get3A_375 = tpu.vector_load %arg7[%get3A_373, %get3A_374] {strides = array<i32>} : memref<24x4096xf32, #tpu.memory_space<vmem>>, vector<16xf32>,
          %pack3A_376 = tpu.pack_subelements %get3A_375, %get3A_375 {pack_format = #tpu.pack_format<interleaved>, positions = array<i32: 0, 1>} : vector<16xf32>, vector<16xf32> -> vector<32xbf16>
          %unpack3A_377 = tpu.unpack_subelements %pack3A_376, 0 {pack_format = #tpu.pack_format<interleaved>} : vector<32xbf16> -> vector<16xf32>
          %unpack3A_378 = tpu.unpack_subelements %pack3A_376, 1 {pack_format = #tpu.pack_format<interleaved>} : vector<32xbf16> -> vector<16xf32>
          %add3A_379 = arith.addf %add3A_370, %unpack3A_377 : vector<16xf32>
          %add3A_380 = arith.constant 4 : i32
          %add3A_381 = arith.addi %mul3A_327, %add3A_380 : i32
          %get3A_382 = arith.index_cast %add3A_381 : i32 to index
          %get3A_383 = arith.index_cast %mul3A_343 : i32 to index
          %get3A_384 = tpu.vector_load %arg7[%get3A_382, %get3A_383] {strides = array<i32>} : memref<24x4096xf32, #tpu.memory_space<vmem>>, vector<16xf32>,
          %pack3A_385 = tpu.pack_subelements %get3A_384, %get3A_384 {pack_format = #tpu.pack_format<interleaved>, positions = array<i32: 0, 1>} : vector<16xf32>, vector<16xf32> -> vector<32xbf16>
          %unpack3A_386 = tpu.unpack_subelements %pack3A_385, 0 {pack_format = #tpu.pack_format<interleaved>} : vector<32xbf16> -> vector<16xf32>
          %unpack3A_387 = tpu.unpack_subelements %pack3A_385, 1 {pack_format = #tpu.pack_format<interleaved>} : vector<32xbf16> -> vector<16xf32>
          %add3A_388 = arith.addf %add3A_379, %unpack3A_386 : vector<16xf32>
          %add3A_389 = arith.constant 5 : i32
          %add3A_390 = arith.addi %mul3A_327, %add3A_389 : i32
          %get3A_391 = arith.index_cast %add3A_390 : i32 to index
          %get3A_392 = arith.index_cast %mul3A_343 : i32 to index
          %get3A_393 = tpu.vector_load %arg7[%get3A_391, %get3A_392] {strides = array<i32>} : memref<24x4096xf32, #tpu.memory_space<vmem>>, vector<16xf32>,
          %pack3A_394 = tpu.pack_subelements %get3A_393, %get3A_393 {pack_format = #tpu.pack_format<interleaved>, positions = array<i32: 0, 1>} : vector<16xf32>, vector<16xf32> -> vector<32xbf16>
          %unpack3A_395 = tpu.unpack_subelements %pack3A_394, 0 {pack_format = #tpu.pack_format<interleaved>} : vector<32xbf16> -> vector<16xf32>
          %unpack3A_396 = tpu.unpack_subelements %pack3A_394, 1 {pack_format = #tpu.pack_format<interleaved>} : vector<32xbf16> -> vector<16xf32>
          %add3A_397 = arith.addf %add3A_388, %unpack3A_395 : vector<16xf32>
          %add3A_398 = arith.constant 6 : i32
          %add3A_399 = arith.addi %mul3A_327, %add3A_398 : i32
          %get3A_400 = arith.index_cast %add3A_399 : i32 to index
          %get3A_401 = arith.index_cast %mul3A_343 : i32 to index
          %get3A_402 = tpu.vector_load %arg7[%get3A_400, %get3A_401] {strides = array<i32>} : memref<24x4096xf32, #tpu.memory_space<vmem>>, vector<16xf32>,
          %pack3A_403 = tpu.pack_subelements %get3A_402, %get3A_402 {pack_format = #tpu.pack_format<interleaved>, positions = array<i32: 0, 1>} : vector<16xf32>, vector<16xf32> -> vector<32xbf16>
          %unpack3A_404 = tpu.unpack_subelements %pack3A_403, 0 {pack_format = #tpu.pack_format<interleaved>} : vector<32xbf16> -> vector<16xf32>
          %unpack3A_405 = tpu.unpack_subelements %pack3A_403, 1 {pack_format = #tpu.pack_format<interleaved>} : vector<32xbf16> -> vector<16xf32>
          %add3A_406 = arith.addf %add3A_397, %unpack3A_404 : vector<16xf32>
          %add3A_407 = arith.constant 7 : i32
          %add3A_408 = arith.addi %mul3A_327, %add3A_407 : i32
          %get3A_409 = arith.index_cast %add3A_408 : i32 to index
          %get3A_410 = arith.index_cast %mul3A_343 : i32 to index
          %get3A_411 = tpu.vector_load %arg7[%get3A_409, %get3A_410] {strides = array<i32>} : memref<24x4096xf32, #tpu.memory_space<vmem>>, vector<16xf32>,
          %pack3A_412 = tpu.pack_subelements %get3A_411, %get3A_411 {pack_format = #tpu.pack_format<interleaved>, positions = array<i32: 0, 1>} : vector<16xf32>, vector<16xf32> -> vector<32xbf16>
          %unpack3A_413 = tpu.unpack_subelements %pack3A_412, 0 {pack_format = #tpu.pack_format<interleaved>} : vector<32xbf16> -> vector<16xf32>
          %unpack3A_414 = tpu.unpack_subelements %pack3A_412, 1 {pack_format = #tpu.pack_format<interleaved>} : vector<32xbf16> -> vector<16xf32>
          %add3A_415 = arith.addf %add3A_406, %unpack3A_413 : vector<16xf32>
          %swap3A_416 = arith.index_cast %mul3A_343 : i32 to index
          %swap3A_417 = tpu.vector_load %arg8[%swap3A_416] {strides = array<i32>} : memref<4096xf32, #tpu.memory_space<vmem>>, vector<16xf32>,
          tpu.vector_store %arg8[%swap3A_416], %add3A_415 {strides = array<i32>} : memref<4096xf32, #tpu.memory_space<vmem>>, vector<16xf32>,
        }
        %scan3A_340 = arith.constant 256 : i32
      } else {
      }
      %ge3A = arith.cmpi sge, %while3A_310, %select_n3A_292 : i32
      %convert_element_type3A_332 = arith.extui %ge3A : i1 to i32
      %cond3A_333 = arith.constant 0 : i32
      %cond3A_334 = arith.cmpi ne, %convert_element_type3A_332, %cond3A_333 : i32
      scf.if %cond3A_334 {
        %mul3A_335 = arith.constant 8 : i32
        %mul3A_336 = arith.muli %while3A_310, %mul3A_335 : i32
        %add3A_337 = arith.constant 0 : i32
        %add3A_338 = arith.addi %mul3A_336, %add3A_337 : i32
        %lt3A_339 = arith.cmpi slt, %add3A_338, %add3A_247 : i32
        %jit3A_340 = arith.constant 1.000000e+00 : f32
        %jit3A_341 = arith.constant 0.000000e+00 : f32
        %select_n3A_342 = arith.select %lt3A_339, %jit3A_340, %jit3A_341 : f32
        %mul3A_343 = arith.constant 8 : i32
        %mul3A_344 = arith.muli %while3A_310, %mul3A_343 : i32
        %add3A_345 = arith.constant 1 : i32
        %add3A_346 = arith.addi %mul3A_344, %add3A_345 : i32
        %lt3A_347 = arith.cmpi slt, %add3A_346, %add3A_247 : i32
        %jit3A_348 = arith.constant 1.000000e+00 : f32
        %jit3A_349 = arith.constant 0.000000e+00 : f32
        %select_n3A_350 = arith.select %lt3A_347, %jit3A_348, %jit3A_349 : f32
        %mul3A_351 = arith.constant 8 : i32
        %mul3A_352 = arith.muli %while3A_310, %mul3A_351 : i32
        %add3A_353 = arith.constant 2 : i32
        %add3A_354 = arith.addi %mul3A_352, %add3A_353 : i32
        %lt3A_355 = arith.cmpi slt, %add3A_354, %add3A_247 : i32
        %jit3A_356 = arith.constant 1.000000e+00 : f32
        %jit3A_357 = arith.constant 0.000000e+00 : f32
        %select_n3A_358 = arith.select %lt3A_355, %jit3A_356, %jit3A_357 : f32
        %mul3A_359 = arith.constant 8 : i32
        %mul3A_360 = arith.muli %while3A_310, %mul3A_359 : i32
        %add3A_361 = arith.constant 3 : i32
        %add3A_362 = arith.addi %mul3A_360, %add3A_361 : i32
        %lt3A_363 = arith.cmpi slt, %add3A_362, %add3A_247 : i32
        %jit3A_364 = arith.constant 1.000000e+00 : f32
        %jit3A_365 = arith.constant 0.000000e+00 : f32
        %select_n3A_366 = arith.select %lt3A_363, %jit3A_364, %jit3A_365 : f32
        %mul3A_367 = arith.constant 8 : i32
        %mul3A_368 = arith.muli %while3A_310, %mul3A_367 : i32
        %add3A_369 = arith.constant 4 : i32
        %add3A_370 = arith.addi %mul3A_368, %add3A_369 : i32
        %lt3A_371 = arith.cmpi slt, %add3A_370, %add3A_247 : i32
        %jit3A_372 = arith.constant 1.000000e+00 : f32
        %jit3A_373 = arith.constant 0.000000e+00 : f32
        %select_n3A_374 = arith.select %lt3A_371, %jit3A_372, %jit3A_373 : f32
        %mul3A_375 = arith.constant 8 : i32
        %mul3A_376 = arith.muli %while3A_310, %mul3A_375 : i32
        %add3A_377 = arith.constant 5 : i32
        %add3A_378 = arith.addi %mul3A_376, %add3A_377 : i32
        %lt3A_379 = arith.cmpi slt, %add3A_378, %add3A_247 : i32
        %jit3A_380 = arith.constant 1.000000e+00 : f32
        %jit3A_381 = arith.constant 0.000000e+00 : f32
        %select_n3A_382 = arith.select %lt3A_379, %jit3A_380, %jit3A_381 : f32
        %mul3A_383 = arith.constant 8 : i32
        %mul3A_384 = arith.muli %while3A_310, %mul3A_383 : i32
        %add3A_385 = arith.constant 6 : i32
        %add3A_386 = arith.addi %mul3A_384, %add3A_385 : i32
        %lt3A_387 = arith.cmpi slt, %add3A_386, %add3A_247 : i32
        %jit3A_388 = arith.constant 1.000000e+00 : f32
        %jit3A_389 = arith.constant 0.000000e+00 : f32
        %select_n3A_390 = arith.select %lt3A_387, %jit3A_388, %jit3A_389 : f32
        %mul3A_391 = arith.constant 8 : i32
        %mul3A_392 = arith.muli %while3A_310, %mul3A_391 : i32
        %add3A_393 = arith.constant 7 : i32
        %add3A_394 = arith.addi %mul3A_392, %add3A_393 : i32
        %lt3A_395 = arith.cmpi slt, %add3A_394, %add3A_247 : i32
        %jit3A_396 = arith.constant 1.000000e+00 : f32
        %jit3A_397 = arith.constant 0.000000e+00 : f32
        %select_n3A_398 = arith.select %lt3A_395, %jit3A_396, %jit3A_397 : f32
        %scan3A_399 = arith.constant 0 : i32
        %scan3A_400 = arith.constant 0 : i32
        %scan3A_401 = arith.constant 256 : i32
        %scan3A_402 = arith.addi %scan3A_400, %scan3A_401 : i32
        %scan3A_403 = arith.constant 1 : i32
        scf.for %scan3A_405 = %scan3A_400 to %scan3A_402 step %scan3A_403  : i32 {
          %mul3A_406 = arith.constant 16 : i32
          %mul3A_407 = arith.muli %scan3A_405, %mul3A_406 : i32
          %get3A_408 = arith.index_cast %mul3A_407 : i32 to index
          %get3A_409 = tpu.vector_load %arg8[%get3A_408] {strides = array<i32>} : memref<4096xf32, #tpu.memory_space<vmem>>, vector<16xf32>,
          %add3A_410 = arith.constant 0 : i32
          %add3A_411 = arith.addi %mul3A_327, %add3A_410 : i32
          %get3A_412 = arith.index_cast %add3A_411 : i32 to index
          %get3A_413 = arith.index_cast %mul3A_407 : i32 to index
          %get3A_414 = tpu.vector_load %arg7[%get3A_412, %get3A_413] {strides = array<i32>} : memref<24x4096xf32, #tpu.memory_space<vmem>>, vector<16xf32>,
          %pack3A = tpu.pack_subelements %get3A_414, %get3A_414 {pack_format = #tpu.pack_format<interleaved>, positions = array<i32: 0, 1>} : vector<16xf32>, vector<16xf32> -> vector<32xbf16>
          %unpack3A = tpu.unpack_subelements %pack3A, 0 {pack_format = #tpu.pack_format<interleaved>} : vector<32xbf16> -> vector<16xf32>
          %unpack3A_415 = tpu.unpack_subelements %pack3A, 1 {pack_format = #tpu.pack_format<interleaved>} : vector<32xbf16> -> vector<16xf32>
          %mul3A_416 = vector.broadcast %select_n3A_342 : f32 to vector<16xf32>
          %mul3A_417 = arith.mulf %unpack3A, %mul3A_416 : vector<16xf32>
          %add3A_418 = arith.addf %get3A_409, %mul3A_417 : vector<16xf32>
          %add3A_419 = arith.constant 1 : i32
          %add3A_420 = arith.addi %mul3A_327, %add3A_419 : i32
          %get3A_421 = arith.index_cast %add3A_420 : i32 to index
          %get3A_422 = arith.index_cast %mul3A_407 : i32 to index
          %get3A_423 = tpu.vector_load %arg7[%get3A_421, %get3A_422] {strides = array<i32>} : memref<24x4096xf32, #tpu.memory_space<vmem>>, vector<16xf32>,
          %pack3A_424 = tpu.pack_subelements %get3A_423, %get3A_423 {pack_format = #tpu.pack_format<interleaved>, positions = array<i32: 0, 1>} : vector<16xf32>, vector<16xf32> -> vector<32xbf16>
          %unpack3A_425 = tpu.unpack_subelements %pack3A_424, 0 {pack_format = #tpu.pack_format<interleaved>} : vector<32xbf16> -> vector<16xf32>
          %unpack3A_426 = tpu.unpack_subelements %pack3A_424, 1 {pack_format = #tpu.pack_format<interleaved>} : vector<32xbf16> -> vector<16xf32>
          %mul3A_427 = vector.broadcast %select_n3A_350 : f32 to vector<16xf32>
          %mul3A_428 = arith.mulf %unpack3A_425, %mul3A_427 : vector<16xf32>
          %add3A_429 = arith.addf %add3A_418, %mul3A_428 : vector<16xf32>
          %add3A_430 = arith.constant 2 : i32
          %add3A_431 = arith.addi %mul3A_327, %add3A_430 : i32
          %get3A_432 = arith.index_cast %add3A_431 : i32 to index
          %get3A_433 = arith.index_cast %mul3A_407 : i32 to index
          %get3A_434 = tpu.vector_load %arg7[%get3A_432, %get3A_433] {strides = array<i32>} : memref<24x4096xf32, #tpu.memory_space<vmem>>, vector<16xf32>,
          %pack3A_435 = tpu.pack_subelements %get3A_434, %get3A_434 {pack_format = #tpu.pack_format<interleaved>, positions = array<i32: 0, 1>} : vector<16xf32>, vector<16xf32> -> vector<32xbf16>
          %unpack3A_436 = tpu.unpack_subelements %pack3A_435, 0 {pack_format = #tpu.pack_format<interleaved>} : vector<32xbf16> -> vector<16xf32>
          %unpack3A_437 = tpu.unpack_subelements %pack3A_435, 1 {pack_format = #tpu.pack_format<interleaved>} : vector<32xbf16> -> vector<16xf32>
          %mul3A_438 = vector.broadcast %select_n3A_358 : f32 to vector<16xf32>
          %mul3A_439 = arith.mulf %unpack3A_436, %mul3A_438 : vector<16xf32>
          %add3A_440 = arith.addf %add3A_429, %mul3A_439 : vector<16xf32>
          %add3A_441 = arith.constant 3 : i32
          %add3A_442 = arith.addi %mul3A_327, %add3A_441 : i32
          %get3A_443 = arith.index_cast %add3A_442 : i32 to index
          %get3A_444 = arith.index_cast %mul3A_407 : i32 to index
          %get3A_445 = tpu.vector_load %arg7[%get3A_443, %get3A_444] {strides = array<i32>} : memref<24x4096xf32, #tpu.memory_space<vmem>>, vector<16xf32>,
          %pack3A_446 = tpu.pack_subelements %get3A_445, %get3A_445 {pack_format = #tpu.pack_format<interleaved>, positions = array<i32: 0, 1>} : vector<16xf32>, vector<16xf32> -> vector<32xbf16>
          %unpack3A_447 = tpu.unpack_subelements %pack3A_446, 0 {pack_format = #tpu.pack_format<interleaved>} : vector<32xbf16> -> vector<16xf32>
          %unpack3A_448 = tpu.unpack_subelements %pack3A_446, 1 {pack_format = #tpu.pack_format<interleaved>} : vector<32xbf16> -> vector<16xf32>
          %mul3A_449 = vector.broadcast %select_n3A_366 : f32 to vector<16xf32>
          %mul3A_450 = arith.mulf %unpack3A_447, %mul3A_449 : vector<16xf32>
          %add3A_451 = arith.addf %add3A_440, %mul3A_450 : vector<16xf32>
          %add3A_452 = arith.constant 4 : i32
          %add3A_453 = arith.addi %mul3A_327, %add3A_452 : i32
          %get3A_454 = arith.index_cast %add3A_453 : i32 to index
          %get3A_455 = arith.index_cast %mul3A_407 : i32 to index
          %get3A_456 = tpu.vector_load %arg7[%get3A_454, %get3A_455] {strides = array<i32>} : memref<24x4096xf32, #tpu.memory_space<vmem>>, vector<16xf32>,
          %pack3A_457 = tpu.pack_subelements %get3A_456, %get3A_456 {pack_format = #tpu.pack_format<interleaved>, positions = array<i32: 0, 1>} : vector<16xf32>, vector<16xf32> -> vector<32xbf16>
          %unpack3A_458 = tpu.unpack_subelements %pack3A_457, 0 {pack_format = #tpu.pack_format<interleaved>} : vector<32xbf16> -> vector<16xf32>
          %unpack3A_459 = tpu.unpack_subelements %pack3A_457, 1 {pack_format = #tpu.pack_format<interleaved>} : vector<32xbf16> -> vector<16xf32>
          %mul3A_460 = vector.broadcast %select_n3A_374 : f32 to vector<16xf32>
          %mul3A_461 = arith.mulf %unpack3A_458, %mul3A_460 : vector<16xf32>
          %add3A_462 = arith.addf %add3A_451, %mul3A_461 : vector<16xf32>
          %add3A_463 = arith.constant 5 : i32
          %add3A_464 = arith.addi %mul3A_327, %add3A_463 : i32
          %get3A_465 = arith.index_cast %add3A_464 : i32 to index
          %get3A_466 = arith.index_cast %mul3A_407 : i32 to index
          %get3A_467 = tpu.vector_load %arg7[%get3A_465, %get3A_466] {strides = array<i32>} : memref<24x4096xf32, #tpu.memory_space<vmem>>, vector<16xf32>,
          %pack3A_468 = tpu.pack_subelements %get3A_467, %get3A_467 {pack_format = #tpu.pack_format<interleaved>, positions = array<i32: 0, 1>} : vector<16xf32>, vector<16xf32> -> vector<32xbf16>
          %unpack3A_469 = tpu.unpack_subelements %pack3A_468, 0 {pack_format = #tpu.pack_format<interleaved>} : vector<32xbf16> -> vector<16xf32>
          %unpack3A_470 = tpu.unpack_subelements %pack3A_468, 1 {pack_format = #tpu.pack_format<interleaved>} : vector<32xbf16> -> vector<16xf32>
          %mul3A_471 = vector.broadcast %select_n3A_382 : f32 to vector<16xf32>
          %mul3A_472 = arith.mulf %unpack3A_469, %mul3A_471 : vector<16xf32>
          %add3A_473 = arith.addf %add3A_462, %mul3A_472 : vector<16xf32>
          %add3A_474 = arith.constant 6 : i32
          %add3A_475 = arith.addi %mul3A_327, %add3A_474 : i32
          %get3A_476 = arith.index_cast %add3A_475 : i32 to index
          %get3A_477 = arith.index_cast %mul3A_407 : i32 to index
          %get3A_478 = tpu.vector_load %arg7[%get3A_476, %get3A_477] {strides = array<i32>} : memref<24x4096xf32, #tpu.memory_space<vmem>>, vector<16xf32>,
          %pack3A_479 = tpu.pack_subelements %get3A_478, %get3A_478 {pack_format = #tpu.pack_format<interleaved>, positions = array<i32: 0, 1>} : vector<16xf32>, vector<16xf32> -> vector<32xbf16>
          %unpack3A_480 = tpu.unpack_subelements %pack3A_479, 0 {pack_format = #tpu.pack_format<interleaved>} : vector<32xbf16> -> vector<16xf32>
          %unpack3A_481 = tpu.unpack_subelements %pack3A_479, 1 {pack_format = #tpu.pack_format<interleaved>} : vector<32xbf16> -> vector<16xf32>
          %mul3A_482 = vector.broadcast %select_n3A_390 : f32 to vector<16xf32>
          %mul3A_483 = arith.mulf %unpack3A_480, %mul3A_482 : vector<16xf32>
          %add3A_484 = arith.addf %add3A_473, %mul3A_483 : vector<16xf32>
          %add3A_485 = arith.constant 7 : i32
          %add3A_486 = arith.addi %mul3A_327, %add3A_485 : i32
          %get3A_487 = arith.index_cast %add3A_486 : i32 to index
          %get3A_488 = arith.index_cast %mul3A_407 : i32 to index
          %get3A_489 = tpu.vector_load %arg7[%get3A_487, %get3A_488] {strides = array<i32>} : memref<24x4096xf32, #tpu.memory_space<vmem>>, vector<16xf32>,
          %pack3A_490 = tpu.pack_subelements %get3A_489, %get3A_489 {pack_format = #tpu.pack_format<interleaved>, positions = array<i32: 0, 1>} : vector<16xf32>, vector<16xf32> -> vector<32xbf16>
          %unpack3A_491 = tpu.unpack_subelements %pack3A_490, 0 {pack_format = #tpu.pack_format<interleaved>} : vector<32xbf16> -> vector<16xf32>
          %unpack3A_492 = tpu.unpack_subelements %pack3A_490, 1 {pack_format = #tpu.pack_format<interleaved>} : vector<32xbf16> -> vector<16xf32>
          %mul3A_493 = vector.broadcast %select_n3A_398 : f32 to vector<16xf32>
          %mul3A_494 = arith.mulf %unpack3A_491, %mul3A_493 : vector<16xf32>
          %add3A_495 = arith.addf %add3A_484, %mul3A_494 : vector<16xf32>
          %swap3A_496 = arith.index_cast %mul3A_407 : i32 to index
          %swap3A_497 = tpu.vector_load %arg8[%swap3A_496] {strides = array<i32>} : memref<4096xf32, #tpu.memory_space<vmem>>, vector<16xf32>,
          tpu.vector_store %arg8[%swap3A_496], %add3A_495 {strides = array<i32>} : memref<4096xf32, #tpu.memory_space<vmem>>, vector<16xf32>,
        }
        %scan3A_404 = arith.constant 256 : i32
      } else {
      }
    }
    %while3A_309 = arith.constant 1 : i32
    scf.for %while3A_310 = %while3A_307 to %while3A_303 step %while3A_309  : i32 {
      %rem3A_311 = arith.constant 3 : i32
      %rem3A_312 = arith.remsi %while3A_310, %rem3A_311 : i32
      %mul3A_313 = arith.constant 8 : i32
      %mul3A_314 = arith.muli %rem3A_312, %mul3A_313 : i32
      %dma_wait3A = arith.constant 0 : i32
      %dma_wait3A_315 = tpu.memref_slice %arg7[%mul3A_314, %dma_wait3A] : memref<24x4096xf32, #tpu.memory_space<vmem>> -> memref<8x4096xf32, #tpu.memory_space<vmem>>
      %dma_wait3A_316 = arith.constant 0 : i32
      %dma_wait3A_317 = tpu.memref_slice %arg6[%dma_wait3A_316] : memref<128xi32, #tpu.memory_space<vmem>> -> memref<8xi32, #tpu.memory_space<vmem>>
      %dma_wait3A_318 = arith.constant 0 : i32
      %dma_wait3A_319 = arith.constant 0 : i32
      %dma_wait3A_320 = tpu.memref_slice %arg3[%dma_wait3A_318, %dma_wait3A_319] : memref<4096x4096xf32, #tpu.memory_space<hbm>> -> memref<4096x4096xf32, #tpu.memory_space<hbm>>
      tpu.wait_indirect_dma semaphore(%arg9 : memref<!tpu.dma_semaphore, #tpu.memory_space<semaphore_mem>>) src(%dma_wait3A_320 : memref<4096x4096xf32, #tpu.memory_space<hbm>>) dst(%dma_wait3A_315 : memref<8x4096xf32, #tpu.memory_space<vmem>>)
      %add3A_321 = arith.constant 2 : i32
      %add3A_322 = arith.addi %while3A_310, %add3A_321 : i32
      %lt3A = arith.cmpi slt, %add3A_322, %select_n3A_268 : i32
      %convert_element_type3A_323 = arith.extui %lt3A : i1 to i32
      %cond3A_324 = arith.constant 0 : i32
      %cond3A_325 = arith.cmpi ne, %convert_element_type3A_323, %cond3A_324 : i32
      scf.if %cond3A_325 {
        %add3A_335 = arith.constant 2 : i32
        %add3A_336 = arith.addi %while3A_310, %add3A_335 : i32
        %add3A_337 = arith.constant 2 : i32
        %add3A_338 = arith.addi %while3A_310, %add3A_337 : i32
        %rem3A_339 = arith.constant 3 : i32
        %rem3A_340 = arith.remsi %add3A_338, %rem3A_339 : i32
        %mul3A_341 = arith.constant 8 : i32
        %mul3A_342 = arith.muli %add3A_336, %mul3A_341 : i32
        %mul3A_343 = arith.constant 8 : i32
        %mul3A_344 = arith.muli %rem3A_340, %mul3A_343 : i32
        %dma_start3A = arith.constant 0 : i32
        %dma_start3A_345 = tpu.memref_slice %arg7[%mul3A_344, %dma_start3A] : memref<24x4096xf32, #tpu.memory_space<vmem>> -> memref<8x4096xf32, #tpu.memory_space<vmem>>
        %dma_start3A_346 = tpu.memref_slice %arg6[%mul3A_342] : memref<128xi32, #tpu.memory_space<vmem>> -> memref<8xi32, #tpu.memory_space<vmem>>
        %dma_start3A_347 = arith.constant 0 : i32
        %dma_start3A_348 = arith.constant 0 : i32
        %dma_start3A_349 = tpu.memref_slice %arg3[%dma_start3A_347, %dma_start3A_348] : memref<4096x4096xf32, #tpu.memory_space<hbm>> -> memref<4096x4096xf32, #tpu.memory_space<hbm>>
        tpu.enqueue_indirect_dma source(%dma_start3A_349 : memref<4096x4096xf32, #tpu.memory_space<hbm>>) target(%dma_start3A_345 : memref<8x4096xf32, #tpu.memory_space<vmem>>) offsets(%dma_start3A_346 : memref<8xi32, #tpu.memory_space<vmem>>) semaphore(%arg9 : memref<!tpu.dma_semaphore, #tpu.memory_space<semaphore_mem>>)
      } else {
      }
      %mul3A_326 = arith.constant 8 : i32
      %mul3A_327 = arith.muli %rem3A_312, %mul3A_326 : i32
      %lt3A_328 = arith.cmpi slt, %while3A_310, %select_n3A_292 : i32
      %convert_element_type3A_329 = arith.extui %lt3A_328 : i1 to i32
      %cond3A_330 = arith.constant 0 : i32
      %cond3A_331 = arith.cmpi ne, %convert_element_type3A_329, %cond3A_330 : i32
      scf.if %cond3A_331 {
        %scan3A_335 = arith.constant 0 : i32
        %scan3A_336 = arith.constant 0 : i32
        %scan3A_337 = arith.constant 256 : i32
        %scan3A_338 = arith.addi %scan3A_336, %scan3A_337 : i32
        %scan3A_339 = arith.constant 1 : i32
        scf.for %scan3A_341 = %scan3A_336 to %scan3A_338 step %scan3A_339  : i32 {
          %mul3A_342 = arith.constant 16 : i32
          %mul3A_343 = arith.muli %scan3A_341, %mul3A_342 : i32
          %get3A_344 = arith.index_cast %mul3A_343 : i32 to index
          %get3A_345 = tpu.vector_load %arg8[%get3A_344] {strides = array<i32>} : memref<4096xf32, #tpu.memory_space<vmem>>, vector<16xf32>,
          %add3A_346 = arith.constant 0 : i32
          %add3A_347 = arith.addi %mul3A_327, %add3A_346 : i32
          %get3A_348 = arith.index_cast %add3A_347 : i32 to index
          %get3A_349 = arith.index_cast %mul3A_343 : i32 to index
          %get3A_350 = tpu.vector_load %arg7[%get3A_348, %get3A_349] {strides = array<i32>} : memref<24x4096xf32, #tpu.memory_space<vmem>>, vector<16xf32>,
          %pack3A = tpu.pack_subelements %get3A_350, %get3A_350 {pack_format = #tpu.pack_format<interleaved>, positions = array<i32: 0, 1>} : vector<16xf32>, vector<16xf32> -> vector<32xbf16>
          %unpack3A = tpu.unpack_subelements %pack3A, 0 {pack_format = #tpu.pack_format<interleaved>} : vector<32xbf16> -> vector<16xf32>
          %unpack3A_351 = tpu.unpack_subelements %pack3A, 1 {pack_format = #tpu.pack_format<interleaved>} : vector<32xbf16> -> vector<16xf32>
          %add3A_352 = arith.addf %get3A_345, %unpack3A : vector<16xf32>
          %add3A_353 = arith.constant 1 : i32
          %add3A_354 = arith.addi %mul3A_327, %add3A_353 : i32
          %get3A_355 = arith.index_cast %add3A_354 : i32 to index
          %get3A_356 = arith.index_cast %mul3A_343 : i32 to index
          %get3A_357 = tpu.vector_load %arg7[%get3A_355, %get3A_356] {strides = array<i32>} : memref<24x4096xf32, #tpu.memory_space<vmem>>, vector<16xf32>,
          %pack3A_358 = tpu.pack_subelements %get3A_357, %get3A_357 {pack_format = #tpu.pack_format<interleaved>, positions = array<i32: 0, 1>} : vector<16xf32>, vector<16xf32> -> vector<32xbf16>
          %unpack3A_359 = tpu.unpack_subelements %pack3A_358, 0 {pack_format = #tpu.pack_format<interleaved>} : vector<32xbf16> -> vector<16xf32>
          %unpack3A_360 = tpu.unpack_subelements %pack3A_358, 1 {pack_format = #tpu.pack_format<interleaved>} : vector<32xbf16> -> vector<16xf32>
          %add3A_361 = arith.addf %add3A_352, %unpack3A_359 : vector<16xf32>
          %add3A_362 = arith.constant 2 : i32
          %add3A_363 = arith.addi %mul3A_327, %add3A_362 : i32
          %get3A_364 = arith.index_cast %add3A_363 : i32 to index
          %get3A_365 = arith.index_cast %mul3A_343 : i32 to index
          %get3A_366 = tpu.vector_load %arg7[%get3A_364, %get3A_365] {strides = array<i32>} : memref<24x4096xf32, #tpu.memory_space<vmem>>, vector<16xf32>,
          %pack3A_367 = tpu.pack_subelements %get3A_366, %get3A_366 {pack_format = #tpu.pack_format<interleaved>, positions = array<i32: 0, 1>} : vector<16xf32>, vector<16xf32> -> vector<32xbf16>
          %unpack3A_368 = tpu.unpack_subelements %pack3A_367, 0 {pack_format = #tpu.pack_format<interleaved>} : vector<32xbf16> -> vector<16xf32>
          %unpack3A_369 = tpu.unpack_subelements %pack3A_367, 1 {pack_format = #tpu.pack_format<interleaved>} : vector<32xbf16> -> vector<16xf32>
          %add3A_370 = arith.addf %add3A_361, %unpack3A_368 : vector<16xf32>
          %add3A_371 = arith.constant 3 : i32
          %add3A_372 = arith.addi %mul3A_327, %add3A_371 : i32
          %get3A_373 = arith.index_cast %add3A_372 : i32 to index
          %get3A_374 = arith.index_cast %mul3A_343 : i32 to index
          %get3A_375 = tpu.vector_load %arg7[%get3A_373, %get3A_374] {strides = array<i32>} : memref<24x4096xf32, #tpu.memory_space<vmem>>, vector<16xf32>,
          %pack3A_376 = tpu.pack_subelements %get3A_375, %get3A_375 {pack_format = #tpu.pack_format<interleaved>, positions = array<i32: 0, 1>} : vector<16xf32>, vector<16xf32> -> vector<32xbf16>
          %unpack3A_377 = tpu.unpack_subelements %pack3A_376, 0 {pack_format = #tpu.pack_format<interleaved>} : vector<32xbf16> -> vector<16xf32>
          %unpack3A_378 = tpu.unpack_subelements %pack3A_376, 1 {pack_format = #tpu.pack_format<interleaved>} : vector<32xbf16> -> vector<16xf32>
          %add3A_379 = arith.addf %add3A_370, %unpack3A_377 : vector<16xf32>
          %add3A_380 = arith.constant 4 : i32
          %add3A_381 = arith.addi %mul3A_327, %add3A_380 : i32
          %get3A_382 = arith.index_cast %add3A_381 : i32 to index
          %get3A_383 = arith.index_cast %mul3A_343 : i32 to index
          %get3A_384 = tpu.vector_load %arg7[%get3A_382, %get3A_383] {strides = array<i32>} : memref<24x4096xf32, #tpu.memory_space<vmem>>, vector<16xf32>,
          %pack3A_385 = tpu.pack_subelements %get3A_384, %get3A_384 {pack_format = #tpu.pack_format<interleaved>, positions = array<i32: 0, 1>} : vector<16xf32>, vector<16xf32> -> vector<32xbf16>
          %unpack3A_386 = tpu.unpack_subelements %pack3A_385, 0 {pack_format = #tpu.pack_format<interleaved>} : vector<32xbf16> -> vector<16xf32>
          %unpack3A_387 = tpu.unpack_subelements %pack3A_385, 1 {pack_format = #tpu.pack_format<interleaved>} : vector<32xbf16> -> vector<16xf32>
          %add3A_388 = arith.addf %add3A_379, %unpack3A_386 : vector<16xf32>
          %add3A_389 = arith.constant 5 : i32
          %add3A_390 = arith.addi %mul3A_327, %add3A_389 : i32
          %get3A_391 = arith.index_cast %add3A_390 : i32 to index
          %get3A_392 = arith.index_cast %mul3A_343 : i32 to index
          %get3A_393 = tpu.vector_load %arg7[%get3A_391, %get3A_392] {strides = array<i32>} : memref<24x4096xf32, #tpu.memory_space<vmem>>, vector<16xf32>,
          %pack3A_394 = tpu.pack_subelements %get3A_393, %get3A_393 {pack_format = #tpu.pack_format<interleaved>, positions = array<i32: 0, 1>} : vector<16xf32>, vector<16xf32> -> vector<32xbf16>
          %unpack3A_395 = tpu.unpack_subelements %pack3A_394, 0 {pack_format = #tpu.pack_format<interleaved>} : vector<32xbf16> -> vector<16xf32>
          %unpack3A_396 = tpu.unpack_subelements %pack3A_394, 1 {pack_format = #tpu.pack_format<interleaved>} : vector<32xbf16> -> vector<16xf32>
          %add3A_397 = arith.addf %add3A_388, %unpack3A_395 : vector<16xf32>
          %add3A_398 = arith.constant 6 : i32
          %add3A_399 = arith.addi %mul3A_327, %add3A_398 : i32
          %get3A_400 = arith.index_cast %add3A_399 : i32 to index
          %get3A_401 = arith.index_cast %mul3A_343 : i32 to index
          %get3A_402 = tpu.vector_load %arg7[%get3A_400, %get3A_401] {strides = array<i32>} : memref<24x4096xf32, #tpu.memory_space<vmem>>, vector<16xf32>,
          %pack3A_403 = tpu.pack_subelements %get3A_402, %get3A_402 {pack_format = #tpu.pack_format<interleaved>, positions = array<i32: 0, 1>} : vector<16xf32>, vector<16xf32> -> vector<32xbf16>
          %unpack3A_404 = tpu.unpack_subelements %pack3A_403, 0 {pack_format = #tpu.pack_format<interleaved>} : vector<32xbf16> -> vector<16xf32>
          %unpack3A_405 = tpu.unpack_subelements %pack3A_403, 1 {pack_format = #tpu.pack_format<interleaved>} : vector<32xbf16> -> vector<16xf32>
          %add3A_406 = arith.addf %add3A_397, %unpack3A_404 : vector<16xf32>
          %add3A_407 = arith.constant 7 : i32
          %add3A_408 = arith.addi %mul3A_327, %add3A_407 : i32
          %get3A_409 = arith.index_cast %add3A_408 : i32 to index
          %get3A_410 = arith.index_cast %mul3A_343 : i32 to index
          %get3A_411 = tpu.vector_load %arg7[%get3A_409, %get3A_410] {strides = array<i32>} : memref<24x4096xf32, #tpu.memory_space<vmem>>, vector<16xf32>,
          %pack3A_412 = tpu.pack_subelements %get3A_411, %get3A_411 {pack_format = #tpu.pack_format<interleaved>, positions = array<i32: 0, 1>} : vector<16xf32>, vector<16xf32> -> vector<32xbf16>
          %unpack3A_413 = tpu.unpack_subelements %pack3A_412, 0 {pack_format = #tpu.pack_format<interleaved>} : vector<32xbf16> -> vector<16xf32>
          %unpack3A_414 = tpu.unpack_subelements %pack3A_412, 1 {pack_format = #tpu.pack_format<interleaved>} : vector<32xbf16> -> vector<16xf32>
          %add3A_415 = arith.addf %add3A_406, %unpack3A_413 : vector<16xf32>
          %swap3A_416 = arith.index_cast %mul3A_343 : i32 to index
          %swap3A_417 = tpu.vector_load %arg8[%swap3A_416] {strides = array<i32>} : memref<4096xf32, #tpu.memory_space<vmem>>, vector<16xf32>,
          tpu.vector_store %arg8[%swap3A_416], %add3A_415 {strides = array<i32>} : memref<4096xf32, #tpu.memory_space<vmem>>, vector<16xf32>,
        }
        %scan3A_340 = arith.constant 256 : i32
      } else {
      }
      %ge3A = arith.cmpi sge, %while3A_310, %select_n3A_292 : i32
      %convert_element_type3A_332 = arith.extui %ge3A : i1 to i32
      %cond3A_333 = arith.constant 0 : i32
      %cond3A_334 = arith.cmpi ne, %convert_element_type3A_332, %cond3A_333 : i32
      scf.if %cond3A_334 {
        %mul3A_335 = arith.constant 8 : i32
        %mul3A_336 = arith.muli %while3A_310, %mul3A_335 : i32
        %add3A_337 = arith.constant 0 : i32
        %add3A_338 = arith.addi %mul3A_336, %add3A_337 : i32
        %lt3A_339 = arith.cmpi slt, %add3A_338, %add3A_247 : i32
        %jit3A_340 = arith.constant 1.000000e+00 : f32
        %jit3A_341 = arith.constant 0.000000e+00 : f32
        %select_n3A_342 = arith.select %lt3A_339, %jit3A_340, %jit3A_341 : f32
        %mul3A_343 = arith.constant 8 : i32
        %mul3A_344 = arith.muli %while3A_310, %mul3A_343 : i32
        %add3A_345 = arith.constant 1 : i32
        %add3A_346 = arith.addi %mul3A_344, %add3A_345 : i32
        %lt3A_347 = arith.cmpi slt, %add3A_346, %add3A_247 : i32
        %jit3A_348 = arith.constant 1.000000e+00 : f32
        %jit3A_349 = arith.constant 0.000000e+00 : f32
        %select_n3A_350 = arith.select %lt3A_347, %jit3A_348, %jit3A_349 : f32
        %mul3A_351 = arith.constant 8 : i32
        %mul3A_352 = arith.muli %while3A_310, %mul3A_351 : i32
        %add3A_353 = arith.constant 2 : i32
        %add3A_354 = arith.addi %mul3A_352, %add3A_353 : i32
        %lt3A_355 = arith.cmpi slt, %add3A_354, %add3A_247 : i32
        %jit3A_356 = arith.constant 1.000000e+00 : f32
        %jit3A_357 = arith.constant 0.000000e+00 : f32
        %select_n3A_358 = arith.select %lt3A_355, %jit3A_356, %jit3A_357 : f32
        %mul3A_359 = arith.constant 8 : i32
        %mul3A_360 = arith.muli %while3A_310, %mul3A_359 : i32
        %add3A_361 = arith.constant 3 : i32
        %add3A_362 = arith.addi %mul3A_360, %add3A_361 : i32
        %lt3A_363 = arith.cmpi slt, %add3A_362, %add3A_247 : i32
        %jit3A_364 = arith.constant 1.000000e+00 : f32
        %jit3A_365 = arith.constant 0.000000e+00 : f32
        %select_n3A_366 = arith.select %lt3A_363, %jit3A_364, %jit3A_365 : f32
        %mul3A_367 = arith.constant 8 : i32
        %mul3A_368 = arith.muli %while3A_310, %mul3A_367 : i32
        %add3A_369 = arith.constant 4 : i32
        %add3A_370 = arith.addi %mul3A_368, %add3A_369 : i32
        %lt3A_371 = arith.cmpi slt, %add3A_370, %add3A_247 : i32
        %jit3A_372 = arith.constant 1.000000e+00 : f32
        %jit3A_373 = arith.constant 0.000000e+00 : f32
        %select_n3A_374 = arith.select %lt3A_371, %jit3A_372, %jit3A_373 : f32
        %mul3A_375 = arith.constant 8 : i32
        %mul3A_376 = arith.muli %while3A_310, %mul3A_375 : i32
        %add3A_377 = arith.constant 5 : i32
        %add3A_378 = arith.addi %mul3A_376, %add3A_377 : i32
        %lt3A_379 = arith.cmpi slt, %add3A_378, %add3A_247 : i32
        %jit3A_380 = arith.constant 1.000000e+00 : f32
        %jit3A_381 = arith.constant 0.000000e+00 : f32
        %select_n3A_382 = arith.select %lt3A_379, %jit3A_380, %jit3A_381 : f32
        %mul3A_383 = arith.constant 8 : i32
        %mul3A_384 = arith.muli %while3A_310, %mul3A_383 : i32
        %add3A_385 = arith.constant 6 : i32
        %add3A_386 = arith.addi %mul3A_384, %add3A_385 : i32
        %lt3A_387 = arith.cmpi slt, %add3A_386, %add3A_247 : i32
        %jit3A_388 = arith.constant 1.000000e+00 : f32
        %jit3A_389 = arith.constant 0.000000e+00 : f32
        %select_n3A_390 = arith.select %lt3A_387, %jit3A_388, %jit3A_389 : f32
        %mul3A_391 = arith.constant 8 : i32
        %mul3A_392 = arith.muli %while3A_310, %mul3A_391 : i32
        %add3A_393 = arith.constant 7 : i32
        %add3A_394 = arith.addi %mul3A_392, %add3A_393 : i32
        %lt3A_395 = arith.cmpi slt, %add3A_394, %add3A_247 : i32
        %jit3A_396 = arith.constant 1.000000e+00 : f32
        %jit3A_397 = arith.constant 0.000000e+00 : f32
        %select_n3A_398 = arith.select %lt3A_395, %jit3A_396, %jit3A_397 : f32
        %scan3A_399 = arith.constant 0 : i32
        %scan3A_400 = arith.constant 0 : i32
        %scan3A_401 = arith.constant 256 : i32
        %scan3A_402 = arith.addi %scan3A_400, %scan3A_401 : i32
        %scan3A_403 = arith.constant 1 : i32
        scf.for %scan3A_405 = %scan3A_400 to %scan3A_402 step %scan3A_403  : i32 {
          %mul3A_406 = arith.constant 16 : i32
          %mul3A_407 = arith.muli %scan3A_405, %mul3A_406 : i32
          %get3A_408 = arith.index_cast %mul3A_407 : i32 to index
          %get3A_409 = tpu.vector_load %arg8[%get3A_408] {strides = array<i32>} : memref<4096xf32, #tpu.memory_space<vmem>>, vector<16xf32>,
          %add3A_410 = arith.constant 0 : i32
          %add3A_411 = arith.addi %mul3A_327, %add3A_410 : i32
          %get3A_412 = arith.index_cast %add3A_411 : i32 to index
          %get3A_413 = arith.index_cast %mul3A_407 : i32 to index
          %get3A_414 = tpu.vector_load %arg7[%get3A_412, %get3A_413] {strides = array<i32>} : memref<24x4096xf32, #tpu.memory_space<vmem>>, vector<16xf32>,
          %pack3A = tpu.pack_subelements %get3A_414, %get3A_414 {pack_format = #tpu.pack_format<interleaved>, positions = array<i32: 0, 1>} : vector<16xf32>, vector<16xf32> -> vector<32xbf16>
          %unpack3A = tpu.unpack_subelements %pack3A, 0 {pack_format = #tpu.pack_format<interleaved>} : vector<32xbf16> -> vector<16xf32>
          %unpack3A_415 = tpu.unpack_subelements %pack3A, 1 {pack_format = #tpu.pack_format<interleaved>} : vector<32xbf16> -> vector<16xf32>
          %mul3A_416 = vector.broadcast %select_n3A_342 : f32 to vector<16xf32>
          %mul3A_417 = arith.mulf %unpack3A, %mul3A_416 : vector<16xf32>
          %add3A_418 = arith.addf %get3A_409, %mul3A_417 : vector<16xf32>
          %add3A_419 = arith.constant 1 : i32
          %add3A_420 = arith.addi %mul3A_327, %add3A_419 : i32
          %get3A_421 = arith.index_cast %add3A_420 : i32 to index
          %get3A_422 = arith.index_cast %mul3A_407 : i32 to index
          %get3A_423 = tpu.vector_load %arg7[%get3A_421, %get3A_422] {strides = array<i32>} : memref<24x4096xf32, #tpu.memory_space<vmem>>, vector<16xf32>,
          %pack3A_424 = tpu.pack_subelements %get3A_423, %get3A_423 {pack_format = #tpu.pack_format<interleaved>, positions = array<i32: 0, 1>} : vector<16xf32>, vector<16xf32> -> vector<32xbf16>
          %unpack3A_425 = tpu.unpack_subelements %pack3A_424, 0 {pack_format = #tpu.pack_format<interleaved>} : vector<32xbf16> -> vector<16xf32>
          %unpack3A_426 = tpu.unpack_subelements %pack3A_424, 1 {pack_format = #tpu.pack_format<interleaved>} : vector<32xbf16> -> vector<16xf32>
          %mul3A_427 = vector.broadcast %select_n3A_350 : f32 to vector<16xf32>
          %mul3A_428 = arith.mulf %unpack3A_425, %mul3A_427 : vector<16xf32>
          %add3A_429 = arith.addf %add3A_418, %mul3A_428 : vector<16xf32>
          %add3A_430 = arith.constant 2 : i32
          %add3A_431 = arith.addi %mul3A_327, %add3A_430 : i32
          %get3A_432 = arith.index_cast %add3A_431 : i32 to index
          %get3A_433 = arith.index_cast %mul3A_407 : i32 to index
          %get3A_434 = tpu.vector_load %arg7[%get3A_432, %get3A_433] {strides = array<i32>} : memref<24x4096xf32, #tpu.memory_space<vmem>>, vector<16xf32>,
          %pack3A_435 = tpu.pack_subelements %get3A_434, %get3A_434 {pack_format = #tpu.pack_format<interleaved>, positions = array<i32: 0, 1>} : vector<16xf32>, vector<16xf32> -> vector<32xbf16>
          %unpack3A_436 = tpu.unpack_subelements %pack3A_435, 0 {pack_format = #tpu.pack_format<interleaved>} : vector<32xbf16> -> vector<16xf32>
          %unpack3A_437 = tpu.unpack_subelements %pack3A_435, 1 {pack_format = #tpu.pack_format<interleaved>} : vector<32xbf16> -> vector<16xf32>
          %mul3A_438 = vector.broadcast %select_n3A_358 : f32 to vector<16xf32>
          %mul3A_439 = arith.mulf %unpack3A_436, %mul3A_438 : vector<16xf32>
          %add3A_440 = arith.addf %add3A_429, %mul3A_439 : vector<16xf32>
          %add3A_441 = arith.constant 3 : i32
          %add3A_442 = arith.addi %mul3A_327, %add3A_441 : i32
          %get3A_443 = arith.index_cast %add3A_442 : i32 to index
          %get3A_444 = arith.index_cast %mul3A_407 : i32 to index
          %get3A_445 = tpu.vector_load %arg7[%get3A_443, %get3A_444] {strides = array<i32>} : memref<24x4096xf32, #tpu.memory_space<vmem>>, vector<16xf32>,
          %pack3A_446 = tpu.pack_subelements %get3A_445, %get3A_445 {pack_format = #tpu.pack_format<interleaved>, positions = array<i32: 0, 1>} : vector<16xf32>, vector<16xf32> -> vector<32xbf16>
          %unpack3A_447 = tpu.unpack_subelements %pack3A_446, 0 {pack_format = #tpu.pack_format<interleaved>} : vector<32xbf16> -> vector<16xf32>
          %unpack3A_448 = tpu.unpack_subelements %pack3A_446, 1 {pack_format = #tpu.pack_format<interleaved>} : vector<32xbf16> -> vector<16xf32>
          %mul3A_449 = vector.broadcast %select_n3A_366 : f32 to vector<16xf32>
          %mul3A_450 = arith.mulf %unpack3A_447, %mul3A_449 : vector<16xf32>
          %add3A_451 = arith.addf %add3A_440, %mul3A_450 : vector<16xf32>
          %add3A_452 = arith.constant 4 : i32
          %add3A_453 = arith.addi %mul3A_327, %add3A_452 : i32
          %get3A_454 = arith.index_cast %add3A_453 : i32 to index
          %get3A_455 = arith.index_cast %mul3A_407 : i32 to index
          %get3A_456 = tpu.vector_load %arg7[%get3A_454, %get3A_455] {strides = array<i32>} : memref<24x4096xf32, #tpu.memory_space<vmem>>, vector<16xf32>,
          %pack3A_457 = tpu.pack_subelements %get3A_456, %get3A_456 {pack_format = #tpu.pack_format<interleaved>, positions = array<i32: 0, 1>} : vector<16xf32>, vector<16xf32> -> vector<32xbf16>
          %unpack3A_458 = tpu.unpack_subelements %pack3A_457, 0 {pack_format = #tpu.pack_format<interleaved>} : vector<32xbf16> -> vector<16xf32>
          %unpack3A_459 = tpu.unpack_subelements %pack3A_457, 1 {pack_format = #tpu.pack_format<interleaved>} : vector<32xbf16> -> vector<16xf32>
          %mul3A_460 = vector.broadcast %select_n3A_374 : f32 to vector<16xf32>
          %mul3A_461 = arith.mulf %unpack3A_458, %mul3A_460 : vector<16xf32>
          %add3A_462 = arith.addf %add3A_451, %mul3A_461 : vector<16xf32>
          %add3A_463 = arith.constant 5 : i32
          %add3A_464 = arith.addi %mul3A_327, %add3A_463 : i32
          %get3A_465 = arith.index_cast %add3A_464 : i32 to index
          %get3A_466 = arith.index_cast %mul3A_407 : i32 to index
          %get3A_467 = tpu.vector_load %arg7[%get3A_465, %get3A_466] {strides = array<i32>} : memref<24x4096xf32, #tpu.memory_space<vmem>>, vector<16xf32>,
          %pack3A_468 = tpu.pack_subelements %get3A_467, %get3A_467 {pack_format = #tpu.pack_format<interleaved>, positions = array<i32: 0, 1>} : vector<16xf32>, vector<16xf32> -> vector<32xbf16>
          %unpack3A_469 = tpu.unpack_subelements %pack3A_468, 0 {pack_format = #tpu.pack_format<interleaved>} : vector<32xbf16> -> vector<16xf32>
          %unpack3A_470 = tpu.unpack_subelements %pack3A_468, 1 {pack_format = #tpu.pack_format<interleaved>} : vector<32xbf16> -> vector<16xf32>
          %mul3A_471 = vector.broadcast %select_n3A_382 : f32 to vector<16xf32>
          %mul3A_472 = arith.mulf %unpack3A_469, %mul3A_471 : vector<16xf32>
          %add3A_473 = arith.addf %add3A_462, %mul3A_472 : vector<16xf32>
          %add3A_474 = arith.constant 6 : i32
          %add3A_475 = arith.addi %mul3A_327, %add3A_474 : i32
          %get3A_476 = arith.index_cast %add3A_475 : i32 to index
          %get3A_477 = arith.index_cast %mul3A_407 : i32 to index
          %get3A_478 = tpu.vector_load %arg7[%get3A_476, %get3A_477] {strides = array<i32>} : memref<24x4096xf32, #tpu.memory_space<vmem>>, vector<16xf32>,
          %pack3A_479 = tpu.pack_subelements %get3A_478, %get3A_478 {pack_format = #tpu.pack_format<interleaved>, positions = array<i32: 0, 1>} : vector<16xf32>, vector<16xf32> -> vector<32xbf16>
          %unpack3A_480 = tpu.unpack_subelements %pack3A_479, 0 {pack_format = #tpu.pack_format<interleaved>} : vector<32xbf16> -> vector<16xf32>
          %unpack3A_481 = tpu.unpack_subelements %pack3A_479, 1 {pack_format = #tpu.pack_format<interleaved>} : vector<32xbf16> -> vector<16xf32>
          %mul3A_482 = vector.broadcast %select_n3A_390 : f32 to vector<16xf32>
          %mul3A_483 = arith.mulf %unpack3A_480, %mul3A_482 : vector<16xf32>
          %add3A_484 = arith.addf %add3A_473, %mul3A_483 : vector<16xf32>
          %add3A_485 = arith.constant 7 : i32
          %add3A_486 = arith.addi %mul3A_327, %add3A_485 : i32
          %get3A_487 = arith.index_cast %add3A_486 : i32 to index
          %get3A_488 = arith.index_cast %mul3A_407 : i32 to index
          %get3A_489 = tpu.vector_load %arg7[%get3A_487, %get3A_488] {strides = array<i32>} : memref<24x4096xf32, #tpu.memory_space<vmem>>, vector<16xf32>,
          %pack3A_490 = tpu.pack_subelements %get3A_489, %get3A_489 {pack_format = #tpu.pack_format<interleaved>, positions = array<i32: 0, 1>} : vector<16xf32>, vector<16xf32> -> vector<32xbf16>
          %unpack3A_491 = tpu.unpack_subelements %pack3A_490, 0 {pack_format = #tpu.pack_format<interleaved>} : vector<32xbf16> -> vector<16xf32>
          %unpack3A_492 = tpu.unpack_subelements %pack3A_490, 1 {pack_format = #tpu.pack_format<interleaved>} : vector<32xbf16> -> vector<16xf32>
          %mul3A_493 = vector.broadcast %select_n3A_398 : f32 to vector<16xf32>
          %mul3A_494 = arith.mulf %unpack3A_491, %mul3A_493 : vector<16xf32>
          %add3A_495 = arith.addf %add3A_484, %mul3A_494 : vector<16xf32>
          %swap3A_496 = arith.index_cast %mul3A_407 : i32 to index
          %swap3A_497 = tpu.vector_load %arg8[%swap3A_496] {strides = array<i32>} : memref<4096xf32, #tpu.memory_space<vmem>>, vector<16xf32>,
          tpu.vector_store %arg8[%swap3A_496], %add3A_495 {strides = array<i32>} : memref<4096xf32, #tpu.memory_space<vmem>>, vector<16xf32>,
        }
        %scan3A_404 = arith.constant 256 : i32
      } else {
      }
    }
    "tpu.region"() ({
      %run_scoped3A = tpu.sem_alloc : memref<!tpu.dma_semaphore, #tpu.memory_space<semaphore_mem>>
      %dma_start3A = arith.constant 0 : i32
      %dma_start3A_310 = tpu.memref_slice %arg4[%add3A, %dma_start3A] : memref<32x4096xf32, #tpu.memory_space<hbm>> -> memref<1x4096xf32, #tpu.memory_space<hbm>>
      %dma_start3A_311 = tpu.memref_squeeze %dma_start3A_310 : memref<1x4096xf32, #tpu.memory_space<hbm>> -> memref<4096xf32, #tpu.memory_space<hbm>>
      %dma_start3A_312 = arith.constant 0 : i32
      %dma_start3A_313 = tpu.memref_slice %arg4[%add3A, %dma_start3A_312] : memref<32x4096xf32, #tpu.memory_space<hbm>> -> memref<1x4096xf32, #tpu.memory_space<hbm>>
      %dma_start3A_314 = tpu.memref_squeeze %dma_start3A_313 : memref<1x4096xf32, #tpu.memory_space<hbm>> -> memref<4096xf32, #tpu.memory_space<hbm>>
      tpu.enqueue_dma source(%arg8 : memref<4096xf32, #tpu.memory_space<vmem>>) target(%dma_start3A_314 : memref<4096xf32, #tpu.memory_space<hbm>>) target_semaphore(%run_scoped3A : memref<!tpu.dma_semaphore, #tpu.memory_space<semaphore_mem>>)
      %dma_wait3A = arith.constant 0 : i32
      %dma_wait3A_315 = tpu.memref_slice %arg4[%add3A, %dma_wait3A] : memref<32x4096xf32, #tpu.memory_space<hbm>> -> memref<1x4096xf32, #tpu.memory_space<hbm>>
      %dma_wait3A_316 = tpu.memref_squeeze %dma_wait3A_315 : memref<1x4096xf32, #tpu.memory_space<hbm>> -> memref<4096xf32, #tpu.memory_space<hbm>>
      %dma_wait3A_317 = arith.constant 0 : i32
      %dma_wait3A_318 = tpu.memref_slice %arg4[%add3A, %dma_wait3A_317] : memref<32x4096xf32, #tpu.memory_space<hbm>> -> memref<1x4096xf32, #tpu.memory_space<hbm>>
      %dma_wait3A_319 = tpu.memref_squeeze %dma_wait3A_318 : memref<1x4096xf32, #tpu.memory_space<hbm>> -> memref<4096xf32, #tpu.memory_space<hbm>>
      tpu.wait_dma2 semaphore(%run_scoped3A : memref<!tpu.dma_semaphore, #tpu.memory_space<semaphore_mem>>) src(%arg8 : memref<4096xf32, #tpu.memory_space<vmem>>) dst(%dma_wait3A_319 : memref<4096xf32, #tpu.memory_space<hbm>>)
      tpu.yield
    }) : () -> ()
    return
  }
}

module attributes {stable_mosaic.version = 14 : i64} {
  func.func @_tc_copy_body(%arg0: i32, %arg1: memref<256x4096xf32, #tpu.memory_space<vmem>>, %arg2: memref<256x4096xf32, #tpu.memory_space<vmem>>) attributes {dimension_semantics = [#tpu.dimension_semantics<arbitrary>], iteration_bounds = array<i64: 4>, scalar_prefetch = 0 : i64, scratch_operands = 0 : i64, tpu.core_type = #tpu.core_type<tc>, window_params = [{transform_indices = @transform_0, window_bounds = array<i64: 256, 4096>}, {transform_indices = @transform_1, window_bounds = array<i64: 256, 4096>}]} {
    %get3A = arith.constant 0 : index
    %get3A_0 = arith.constant 0 : index
    %get3A_1 = vector.load %arg1[%get3A, %get3A_0] : memref<256x4096xf32, #tpu.memory_space<vmem>>, vector<256x4096xf32>
    %swap3A = arith.constant 0 : index
    %swap3A_2 = arith.constant 0 : index
    %swap3A_3 = vector.load %arg2[%swap3A, %swap3A_2] : memref<256x4096xf32, #tpu.memory_space<vmem>>, vector<256x4096xf32>
    tpu.vector_store %arg2[%swap3A, %swap3A_2], %get3A_1 {strides = array<i32>} : memref<256x4096xf32, #tpu.memory_space<vmem>>, vector<256x4096xf32>,
    return
  }
  func.func @transform_0(%arg0: i32) -> (i32, i32) {
    %c0_i32 = arith.constant 0 : i32
    %c0_i32_0 = arith.constant 0 : i32
    return %arg0, %c0_i32 : i32, i32
  }
  func.func @transform_1(%arg0: i32) -> (i32, i32) {
    %c0_i32 = arith.constant 0 : i32
    %c0_i32_0 = arith.constant 0 : i32
    return %arg0, %c0_i32 : i32, i32
  }
}

module attributes {stable_mosaic.version = 14 : i64} {
  func.func @_tc_main_body(%arg0: i32, %arg1: memref<32x4096xf32, #tpu.memory_space<vmem>>, %arg2: memref<4096xf32, #tpu.memory_space<vmem>>, %arg3: memref<4096xf32, #tpu.memory_space<vmem>>, %arg4: memref<256x4096xf32, #tpu.memory_space<vmem>>, %arg5: memref<1024xf32, #tpu.memory_space<vmem>>, %arg6: memref<1024x4096xf32, #tpu.memory_space<any>>, %arg7: memref<256xf32, #tpu.memory_space<vmem>>, %arg8: memref<4096xf32, #tpu.memory_space<vmem>>, %arg9: memref<1024xf32, #tpu.memory_space<vmem>>, %arg10: memref<1024x4096xf32, #tpu.memory_space<any>>, %arg11: memref<1xf32, #tpu.memory_space<smem>>, %arg12: memref<1xi32, #tpu.memory_space<smem>>, %arg13: memref<1x4096xf32, #tpu.memory_space<vmem>>, %arg14: memref<4096xf32, #tpu.memory_space<vmem>>, %arg15: memref<!tpu.dma_semaphore, #tpu.memory_space<semaphore_mem>>) attributes {dimension_semantics = [#tpu.dimension_semantics<arbitrary>], iteration_bounds = array<i64: 4>, scalar_prefetch = 0 : i64, scratch_operands = 5 : i64, tpu.core_type = #tpu.core_type<tc>, window_params = [{pipeline_mode = #tpu.pipeline_mode<synchronous>, transform_indices = @transform_0, window_bounds = array<i64: 32, 4096>}, {pipeline_mode = #tpu.pipeline_mode<synchronous>, transform_indices = @transform_1, window_bounds = array<i64: 4096>}, {pipeline_mode = #tpu.pipeline_mode<synchronous>, transform_indices = @transform_2, window_bounds = array<i64: 4096>}, {transform_indices = @transform_3, window_bounds = array<i64: 256, 4096>}, {pipeline_mode = #tpu.pipeline_mode<synchronous>, transform_indices = @transform_4, window_bounds = array<i64: 1024>}, {}, {transform_indices = @transform_6, window_bounds = array<i64: 256>}, {pipeline_mode = #tpu.pipeline_mode<synchronous>, transform_indices = @transform_7, window_bounds = array<i64: 4096>}, {pipeline_mode = #tpu.pipeline_mode<synchronous>, transform_indices = @transform_8, window_bounds = array<i64: 1024>}, {}]} {
    %eq3A = arith.constant 0 : i32
    %eq3A_0 = arith.cmpi eq, %arg0, %eq3A : i32
    %convert_element_type3A = arith.extui %eq3A_0 : i1 to i32
    %cond3A = arith.constant 0 : i32
    %cond3A_1 = arith.cmpi ne, %convert_element_type3A, %cond3A : i32
    scf.if %cond3A_1 {
      %get3A_41 = arith.constant 0 : index
      %get3A_42 = arith.constant 0 : index
      %get3A_43 = vector.load %arg1[%get3A_41, %get3A_42] : memref<32x4096xf32, #tpu.memory_space<vmem>>, vector<32x4096xf32>
      %reduce_sum3A_44 = arith.constant dense<0.000000e+00> : vector<4096xf32>
      %reduce_sum3A_45 = vector.multi_reduction <add>, %get3A_43, %reduce_sum3A_44 [0] : vector<32x4096xf32> to vector<4096xf32>
      %get3A_46 = arith.constant 0 : index
      %get3A_47 = vector.load %arg2[%get3A_46] : memref<4096xf32, #tpu.memory_space<vmem>>, vector<4096xf32>
      %add3A = arith.addf %reduce_sum3A_45, %get3A_47 : vector<4096xf32>
      %get3A_48 = arith.constant 0 : index
      %get3A_49 = vector.load %arg3[%get3A_48] : memref<4096xf32, #tpu.memory_space<vmem>>, vector<4096xf32>
      %gt3A_50 = arith.cmpf ogt, %add3A, %get3A_49 : vector<4096xf32>
      %convert_element_type3A_51 = arith.extui %gt3A_50 : vector<4096xi1> to vector<4096xi32>
      %convert_element_type3A_52 = arith.sitofp %convert_element_type3A_51 : vector<4096xi32> to vector<4096xf32>
      %swap3A_53 = arith.constant 0 : index
      %swap3A_54 = vector.load %arg8[%swap3A_53] : memref<4096xf32, #tpu.memory_space<vmem>>, vector<4096xf32>
      tpu.vector_store %arg8[%swap3A_53], %convert_element_type3A_52 {strides = array<i32>} : memref<4096xf32, #tpu.memory_space<vmem>>, vector<4096xf32>,
      %swap3A_55 = arith.constant -1.000000e+00 : f32
      %swap3A_56 = arith.constant 0 : index
      %swap3A_57 = memref.load %arg11[%swap3A_56] : memref<1xf32, #tpu.memory_space<smem>>
      memref.store %swap3A_55, %arg11[%swap3A_56] : memref<1xf32, #tpu.memory_space<smem>>
      %swap3A_58 = arith.constant 0 : i32
      %swap3A_59 = arith.constant 0 : index
      %swap3A_60 = memref.load %arg12[%swap3A_59] : memref<1xi32, #tpu.memory_space<smem>>
      memref.store %swap3A_58, %arg12[%swap3A_59] : memref<1xi32, #tpu.memory_space<smem>>
    } else {
    }
    %get3A = arith.constant 0 : index
    %get3A_2 = vector.load %arg8[%get3A] : memref<4096xf32, #tpu.memory_space<vmem>>, vector<4096xf32>
    %get3A_3 = arith.constant 0 : index
    %get3A_4 = arith.constant 0 : index
    %get3A_5 = vector.load %arg4[%get3A_3, %get3A_4] : memref<256x4096xf32, #tpu.memory_space<vmem>>, vector<256x4096xf32>
    %convert_element_type3A_6 = arith.truncf %get3A_5 : vector<256x4096xf32> to vector<256x4096xbf16>
    %convert_element_type3A_7 = arith.extf %convert_element_type3A_6 : vector<256x4096xbf16> to vector<256x4096xf32>
    %broadcast_in_dim3A = vector.shape_cast %get3A_2 : vector<4096xf32> to vector<1x4096xf32>
    %mul3A = vector.broadcast %broadcast_in_dim3A : vector<1x4096xf32> to vector<256x4096xf32>
    %mul3A_8 = arith.mulf %convert_element_type3A_7, %mul3A : vector<256x4096xf32>
    %reduce_sum3A = arith.constant dense<0.000000e+00> : vector<256xf32>
    %reduce_sum3A_9 = vector.multi_reduction <add>, %mul3A_8, %reduce_sum3A [1] : vector<256x4096xf32> to vector<256xf32>
    %max3A = arith.constant 0.000000e+00 : f32
    %max3A_10 = vector.broadcast %max3A : f32 to vector<256xf32>
    %max3A_11 = arith.maximumf %reduce_sum3A_9, %max3A_10 : vector<256xf32>
    %swap3A = arith.constant 0 : index
    %swap3A_12 = vector.load %arg7[%swap3A] : memref<256xf32, #tpu.memory_space<vmem>>, vector<256xf32>
    tpu.vector_store %arg7[%swap3A], %max3A_11 {strides = array<i32>} : memref<256xf32, #tpu.memory_space<vmem>>, vector<256xf32>,
    %mul3A_13 = arith.constant 256 : i32
    %mul3A_14 = arith.muli %arg0, %mul3A_13 : i32
    %get3A_15 = arith.index_cast %mul3A_14 : i32 to index
    %get3A_16 = vector.load %arg5[%get3A_15] : memref<1024xf32, #tpu.memory_space<vmem>>, vector<256xf32>
    %sub3A = arith.subf %max3A_11, %get3A_16 : vector<256xf32>
    %max3A_17 = arith.constant 0.000000e+00 : f32
    %max3A_18 = vector.broadcast %max3A_17 : f32 to vector<256xf32>
    %max3A_19 = arith.maximumf %sub3A, %max3A_18 : vector<256xf32>
    %reshape3A = vector.shape_cast %max3A_19 : vector<256xf32> to vector<1x256xf32>
    %reduce_max3A = vector.shape_cast %reshape3A : vector<1x256xf32> to vector<1x1x256xf32>
    %reduce_max3A_20 = arith.constant dense<0xFF800000> : vector<1xf32>
    %reduce_max3A_21 = vector.multi_reduction <maximumf>, %reduce_max3A, %reduce_max3A_20 [1, 2] : vector<1x1x256xf32> to vector<1xf32>
    %reduce_max3A_22 = vector.shape_cast %reduce_max3A_21 : vector<1xf32> to vector<1x1x1xf32>
    %reduce_max3A_23 = vector.extract %reduce_max3A_22[0, 0, 0] : f32 from vector<1x1x1xf32>
    %iota3A = tpu.iota {dimensions = array<i32: 1>} : vector<1x256xi32>
    %eq3A_24 = vector.broadcast %reduce_max3A_23 : f32 to vector<1x256xf32>
    %eq3A_25 = arith.cmpf oeq, %reshape3A, %eq3A_24 : vector<1x256xf32>
    %jit3A = arith.constant 256 : i32
    %broadcast_in_dim3A_26 = vector.broadcast %jit3A : i32 to vector<1x256xi32>
    %select_n3A = arith.select %eq3A_25, %iota3A, %broadcast_in_dim3A_26 : vector<1x256xi1>, vector<1x256xi32>
    %reduce_min3A = vector.shape_cast %select_n3A : vector<1x256xi32> to vector<1x1x256xi32>
    %reduce_min3A_27 = arith.constant dense<2147483647> : vector<1xi32>
    %reduce_min3A_28 = vector.multi_reduction <minsi>, %reduce_min3A, %reduce_min3A_27 [1, 2] : vector<1x1x256xi32> to vector<1xi32>
    %reduce_min3A_29 = vector.shape_cast %reduce_min3A_28 : vector<1xi32> to vector<1x1x1xi32>
    %reduce_min3A_30 = vector.extract %reduce_min3A_29[0, 0, 0] : i32 from vector<1x1x1xi32>
    %get3A_31 = arith.constant 0 : index
    %get3A_32 = memref.load %arg11[%get3A_31] : memref<1xf32, #tpu.memory_space<smem>>
    %gt3A = arith.cmpf ogt, %reduce_max3A_23, %get3A_32 : f32
    %convert_element_type3A_33 = arith.extui %gt3A : i1 to i32
    %cond3A_34 = arith.constant 0 : i32
    %cond3A_35 = arith.cmpi ne, %convert_element_type3A_33, %cond3A_34 : i32
    scf.if %cond3A_35 {
      %swap3A_41 = arith.constant 0 : index
      %swap3A_42 = memref.load %arg11[%swap3A_41] : memref<1xf32, #tpu.memory_space<smem>>
      memref.store %reduce_max3A_23, %arg11[%swap3A_41] : memref<1xf32, #tpu.memory_space<smem>>
      %mul3A_43 = arith.constant 256 : i32
      %mul3A_44 = arith.muli %arg0, %mul3A_43 : i32
      %add3A = arith.addi %mul3A_44, %reduce_min3A_30 : i32
      %swap3A_45 = arith.constant 0 : index
      %swap3A_46 = memref.load %arg12[%swap3A_45] : memref<1xi32, #tpu.memory_space<smem>>
      memref.store %add3A, %arg12[%swap3A_45] : memref<1xi32, #tpu.memory_space<smem>>
      %get3A_47 = arith.index_cast %reduce_min3A_30 : i32 to index
      %get3A_48 = arith.constant 0 : index
      %get3A_49 = vector.load %arg4[%get3A_47, %get3A_48] : memref<256x4096xf32, #tpu.memory_space<vmem>>, vector<1x4096xf32>
      %swap3A_50 = arith.constant 0 : index
      %swap3A_51 = arith.constant 0 : index
      %swap3A_52 = vector.load %arg13[%swap3A_50, %swap3A_51] : memref<1x4096xf32, #tpu.memory_space<vmem>>, vector<1x4096xf32>
      tpu.vector_store %arg13[%swap3A_50, %swap3A_51], %get3A_49 {strides = array<i32>} : memref<1x4096xf32, #tpu.memory_space<vmem>>, vector<1x4096xf32>,
    } else {
    }
    %eq3A_36 = arith.constant 3 : i32
    %eq3A_37 = arith.cmpi eq, %arg0, %eq3A_36 : i32
    %convert_element_type3A_38 = arith.extui %eq3A_37 : i1 to i32
    %cond3A_39 = arith.constant 0 : i32
    %cond3A_40 = arith.cmpi ne, %convert_element_type3A_38, %cond3A_39 : i32
    scf.if %cond3A_40 {
      %get3A_41 = arith.constant 0 : index
      %get3A_42 = memref.load %arg11[%get3A_41] : memref<1xf32, #tpu.memory_space<smem>>
      %get3A_43 = arith.constant 0 : index
      %get3A_44 = memref.load %arg12[%get3A_43] : memref<1xi32, #tpu.memory_space<smem>>
      %gt3A_45 = arith.constant 0.000000e+00 : f32
      %gt3A_46 = arith.cmpf ogt, %get3A_42, %gt3A_45 : f32
      %get3A_47 = arith.constant 0 : index
      %get3A_48 = vector.load %arg5[%get3A_47] : memref<1024xf32, #tpu.memory_space<vmem>>, vector<1024xf32>
      %reshape3A_49 = vector.shape_cast %get3A_48 : vector<1024xf32> to vector<8x128xf32>
      %iota3A_50 = tpu.iota {dimensions = array<i32: 0>} : vector<8x128xi32>
      %mul3A_51 = arith.constant 128 : i32
      %mul3A_52 = vector.broadcast %mul3A_51 : i32 to vector<8x128xi32>
      %mul3A_53 = arith.muli %iota3A_50, %mul3A_52 : vector<8x128xi32>
      %iota3A_54 = tpu.iota {dimensions = array<i32: 1>} : vector<8x128xi32>
      %add3A = arith.addi %mul3A_53, %iota3A_54 : vector<8x128xi32>
      %mul3A_55 = arith.constant 5.000000e-03 : f32
      %mul3A_56 = arith.mulf %mul3A_55, %get3A_42 : f32
      %jit3A_57 = arith.constant 0.000000e+00 : f32
      %select_n3A_58 = arith.select %gt3A_46, %mul3A_56, %jit3A_57 : f32
      %eq3A_59 = vector.broadcast %get3A_44 : i32 to vector<8x128xi32>
      %eq3A_60 = arith.cmpi eq, %add3A, %eq3A_59 : vector<8x128xi32>
      %add3A_61 = vector.broadcast %select_n3A_58 : f32 to vector<8x128xf32>
      %add3A_62 = arith.addf %reshape3A_49, %add3A_61 : vector<8x128xf32>
      %select_n3A_63 = arith.select %eq3A_60, %add3A_62, %reshape3A_49 : vector<8x128xi1>, vector<8x128xf32>
      %reshape3A_64 = vector.shape_cast %select_n3A_63 : vector<8x128xf32> to vector<1024xf32>
      %swap3A_65 = arith.constant 0 : index
      %swap3A_66 = vector.load %arg9[%swap3A_65] : memref<1024xf32, #tpu.memory_space<vmem>>, vector<1024xf32>
      tpu.vector_store %arg9[%swap3A_65], %reshape3A_64 {strides = array<i32>} : memref<1024xf32, #tpu.memory_space<vmem>>, vector<1024xf32>,
      %convert_element_type3A_67 = arith.extui %gt3A_46 : i1 to i32
      %cond3A_68 = arith.constant 0 : i32
      %cond3A_69 = arith.cmpi ne, %convert_element_type3A_67, %cond3A_68 : i32
      scf.if %cond3A_69 {
        %get3A_70 = arith.constant 0 : index
        %get3A_71 = arith.constant 0 : index
        %get3A_72 = vector.load %arg13[%get3A_70, %get3A_71] : memref<1x4096xf32, #tpu.memory_space<vmem>>, vector<1x4096xf32>
        %get3A_73 = vector.shape_cast %get3A_72 : vector<1x4096xf32> to vector<4096xf32>
        %mul3A_74 = arith.constant 1.000000e-01 : f32
        %mul3A_75 = arith.mulf %mul3A_74, %get3A_42 : f32
        %get3A_76 = arith.constant 0 : index
        %get3A_77 = vector.load %arg8[%get3A_76] : memref<4096xf32, #tpu.memory_space<vmem>>, vector<4096xf32>
        %mul3A_78 = vector.broadcast %mul3A_75 : f32 to vector<4096xf32>
        %mul3A_79 = arith.mulf %mul3A_78, %get3A_77 : vector<4096xf32>
        %add3A_80 = arith.addf %get3A_73, %mul3A_79 : vector<4096xf32>
        %reduce_sum3A_81 = vector.shape_cast %add3A_80 : vector<4096xf32> to vector<1x4096xf32>
        %reduce_sum3A_82 = arith.constant dense<0.000000e+00> : vector<1xf32>
        %reduce_sum3A_83 = vector.multi_reduction <add>, %reduce_sum3A_81, %reduce_sum3A_82 [1] : vector<1x4096xf32> to vector<1xf32>
        %reduce_sum3A_84 = vector.shape_cast %reduce_sum3A_83 : vector<1xf32> to vector<1x1xf32>
        %reduce_sum3A_85 = vector.extract %reduce_sum3A_84[0, 0] : f32 from vector<1x1xf32>
        %div3A = arith.constant 4.096000e+03 : f32
        %div3A_86 = arith.divf %reduce_sum3A_85, %div3A : f32
        %div3A_87 = vector.broadcast %div3A_86 : f32 to vector<4096xf32>
        %div3A_88 = arith.divf %add3A_80, %div3A_87 : vector<4096xf32>
        %mul3A_89 = arith.constant 2.500000e+00 : f32
        %mul3A_90 = vector.broadcast %mul3A_89 : f32 to vector<4096xf32>
        %mul3A_91 = arith.mulf %div3A_88, %mul3A_90 : vector<4096xf32>
        %swap3A_92 = arith.constant 0 : index
        %swap3A_93 = vector.load %arg14[%swap3A_92] : memref<4096xf32, #tpu.memory_space<vmem>>, vector<4096xf32>
        tpu.vector_store %arg14[%swap3A_92], %mul3A_91 {strides = array<i32>} : memref<4096xf32, #tpu.memory_space<vmem>>, vector<4096xf32>,
        %dma_start3A = arith.constant 0 : i32
        %dma_start3A_94 = tpu.memref_slice %arg10[%get3A_44, %dma_start3A] : memref<1024x4096xf32, #tpu.memory_space<any>> -> memref<1x4096xf32, #tpu.memory_space<any>>
        %dma_start3A_95 = tpu.memref_squeeze %dma_start3A_94 : memref<1x4096xf32, #tpu.memory_space<any>> -> memref<4096xf32, #tpu.memory_space<any>>
        tpu.enqueue_dma source(%arg14 : memref<4096xf32, #tpu.memory_space<vmem>>) target(%dma_start3A_95 : memref<4096xf32, #tpu.memory_space<any>>) target_semaphore(%arg15 : memref<!tpu.dma_semaphore, #tpu.memory_space<semaphore_mem>>)
        %dma_wait3A = arith.constant 0 : i32
        %dma_wait3A_96 = tpu.memref_slice %arg10[%get3A_44, %dma_wait3A] : memref<1024x4096xf32, #tpu.memory_space<any>> -> memref<1x4096xf32, #tpu.memory_space<any>>
        %dma_wait3A_97 = tpu.memref_squeeze %dma_wait3A_96 : memref<1x4096xf32, #tpu.memory_space<any>> -> memref<4096xf32, #tpu.memory_space<any>>
        tpu.wait_dma2 semaphore(%arg15 : memref<!tpu.dma_semaphore, #tpu.memory_space<semaphore_mem>>) src(%arg14 : memref<4096xf32, #tpu.memory_space<vmem>>) dst(%dma_wait3A_97 : memref<4096xf32, #tpu.memory_space<any>>)
      } else {
      }
    } else {
    }
    return
  }
  func.func @transform_0(%arg0: i32) -> (i32, i32) {
    %c0_i32 = arith.constant 0 : i32
    %c0_i32_0 = arith.constant 0 : i32
    %c0_i32_1 = arith.constant 0 : i32
    return %c0_i32, %c0_i32_0 : i32, i32
  }
  func.func @transform_1(%arg0: i32) -> i32 {
    %c0_i32 = arith.constant 0 : i32
    %c0_i32_0 = arith.constant 0 : i32
    return %c0_i32 : i32
  }
  func.func @transform_2(%arg0: i32) -> i32 {
    %c0_i32 = arith.constant 0 : i32
    %c0_i32_0 = arith.constant 0 : i32
    return %c0_i32 : i32
  }
  func.func @transform_3(%arg0: i32) -> (i32, i32) {
    %c0_i32 = arith.constant 0 : i32
    %c0_i32_0 = arith.constant 0 : i32
    return %arg0, %c0_i32 : i32, i32
  }
  func.func @transform_4(%arg0: i32) -> i32 {
    %c0_i32 = arith.constant 0 : i32
    %c0_i32_0 = arith.constant 0 : i32
    return %c0_i32 : i32
  }
  func.func @transform_6(%arg0: i32) -> i32 {
    %c0_i32 = arith.constant 0 : i32
    return %arg0 : i32
  }
  func.func @transform_7(%arg0: i32) -> i32 {
    %c0_i32 = arith.constant 0 : i32
    %c0_i32_0 = arith.constant 0 : i32
    return %c0_i32 : i32
  }
  func.func @transform_8(%arg0: i32) -> i32 {
    %c0_i32 = arith.constant 0 : i32
    %c0_i32_0 = arith.constant 0 : i32
    return %c0_i32 : i32
  }
}

</mosaic_0001>

<sc_bundles>
// kernel: kernel.5.cloned.1.call-start
scs
__scs_entry_jumppad:
0x0: {  	(pc) =	sbr.rel $0x88, $3  }
0x1: {  	(tag) =	ssettag $0x0;
	lr =	simm.s32 $0x1  }
0x2: {  	[smem:$0x3F9B] =	sst lr;
	_ =	strace $0xD0000000  }
0x3: {  	_ = 	snop  }
0x4: {  	_ = 	snop  }
0x5: {  	_ = 	snop  }
0x6: {  	_ = 	snop  }
0x7: {  	_ = 	snop  }
__scs_overlays_trampoline_lowered:
0x8: {  	[smem:$0x3FAA] =	sst s0  }
0x9: {  	[smem:$0x3FAB] =	sst s1  }
0xa: {  	[smem:$0x3FAC] =	sst s2  }
0xb: {  	[smem:$0x3FAD] =	sst s3  }
0xc: {  	[smem:$0x3FAE] =	sst s4  }
0xd: {  	[smem:$0x3FAF] =	sst s5  }
0xe: {  	[smem:$0x3FB0] =	sst s6  }
0xf: {  	[smem:$0x3FB1] =	sst s7  }
0x10: {  	[smem:$0x3FB2] =	sst s8  }
0x11: {  	[smem:$0x3FB3] =	sst s9;
	s0 =	simm.s32 @!p0 $0x0  }
0x12: {  	s1 =	sld [smem:$0x3F99];
	s0 =	simm.s32 @p0 $0x1  }
0x13: {  	[smem:$0x3FB4] =	sst s0;
	s0 =	simm.s32 @!p1 $0x0  }
0x14: {  	s2 =	sld [smem:$0x3F98];
	s0 =	simm.s32 @p1 $0x1  }
0x15: {  	[smem:$0x3FB5] =	sst s0;
	s0 =	simm.s32 @!p2 $0x0  }
0x16: {  	s3 =	sld [smem:$0x3FDB];
	s0 =	simm.s32 @p2 $0x1  }
0x17: {  	s4 =	simm.s32 $0x1BF5;
	[smem:$0x3FB7] =	sst s0  }
0x18: {  	s0 =	sld [smem:$0x3F9A];
	_ =	swait.ge [sflag:s4], $0x0  }
0x19: {  	s7 =	sld [smem:$0x3F9B]  }
0x1a: {  	s8 =	sadd.s32 $0xFFFFE003, lr  }
0x1b: {  	s9 =	sadd.s32 $0xFFFFFEF7, lr;
	s5 =	simm.s32 $0xFFFFFFFF;
	p2 =	slt.u32 s8, $0xFFFFF086  }
0x1c: {  	p1 =	slt.u32 s9, $0xF7A;
	s5 =	simm.s32 @!p2 $0x0  }
0x1d: {  	s5 =	simm.s32 @p1 $0x1;
	p0 =	seq.s32 s7, s2  }
0x1e: {  	s7 =	smul.u32 @!p0 $0xF7A, s2;
	p2 =	seq.s32 @!p0 s5, $0x0  }
0x1f: {  	s9 =	smul.u32 $0xF7A, s1;
	s8 =	simm.s32 @!p0 $0x1BF5;
	p2 =	por !p2, p0  }
0x20: {  	[sflag:s8] =	ssyncset.s32 @!p0 $0xFFFFF086;
	s6 =	sadd.s32 @!p0 s3, s7;
	s7 =	simm.s32 @!p0 $0x108  }
0x21: {  	s3 =	sadd.s32 s3, s9;
	s6 =	sadd.s32 @!p0 $0x88, s6;
	s7 =	simm.s32 @p2 $0x1082  }
0x22: {  	[simem:s7], [sflag:s8] =	dma.local @!p0 [hbm:s6], $0xF7A  }
0x23: {  	s9 =	sor.u32 $0xD0000000, s2;
	s6 =	simm.s32 $0x108;
	_ =	swait.ge @!p0 [sflag:s8], $0x0  }
0x24: {  	s3 =	sadd.s32 $0x88, s3;
	s6 =	simm.s32 @!p1 $0x1082;
	[sflag:s4] =	ssyncset.s32 $0xFFFFF086  }
0x25: {  	[simem:s6], [sflag:s4] =	dma.local [hbm:s3], $0xF7A  }
0x26: {  	[smem:$0x3F9B] =	sst s1;
	(tag) =	ssettag s2;
	_ =	strace s9  }
0x27: {  	s1 =	sld [smem:$0x3FAB]  }
0x28: {  	s2 =	sld [smem:$0x3FAC]  }
0x29: {  	s4 =	sld [smem:$0x3FAE]  }
0x2a: {  	p0 =	seq.s32 s5, $0x0;
	s5 =	sld [smem:$0x3FAF]  }
0x2b: {  	s6 =	sld [smem:$0x3FB0]  }
0x2c: {  	s7 =	sld [smem:$0x3FB1]  }
0x2d: {  	s3 =	simm.s32 $0x108;
	s8 =	sld [smem:$0x3FB2]  }
0x2e: {  	s3 =	simm.s32 @!p0 $0x1082;
	s9 =	sld [smem:$0x3FB3]  }
0x2f: {  	lr =	sadd.s32 s0, s3;
	s0 =	sld [smem:$0x3FAA]  }
0x30: {  	s3 =	sld [smem:$0x3FAD]  }
0x31: {  	[smem:$0x3FB6] =	sst s10  }
0x32: {  	s10 =	sld [smem:$0x3FB4];
	_ =	sdelay $0x3  }
0x33: {  	p0 =	seq.s32 s10, $0x1;
	s10 =	sld [smem:$0x3FB6];
	_ =	sdelay $0x3  }
0x34: {  	[smem:$0x3FB6] =	sst s10  }
0x35: {  	s10 =	sld [smem:$0x3FB5];
	_ =	sdelay $0x3  }
0x36: {  	p1 =	seq.s32 s10, $0x1;
	s10 =	sld [smem:$0x3FB6];
	_ =	sdelay $0x3  }
0x37: {  	[smem:$0x3FB6] =	sst s10  }
0x38: {  	s10 =	sld [smem:$0x3FB7]  }
0x39: {  	_ = 	snop;
	(pc) =	sbr.ind lr, $3  }
0x3a: {  	_ = 	snop  }
0x3b: {  	_ = 	snop  }
0x3c: {  	p2 =	seq.s32 s10, $0x1;
	s10 =	sld [smem:$0x3FB6]  }
0x3d: {  	_ =	shalt  }
0x3e: {  	_ =	shalt  }
0x3f: {  	_ =	shalt  }
0x40: {  	_ =	shalt  }
0x41: {  	_ =	shalt  }
0x42: {  	_ =	shalt  }
0x43: {  	_ =	shalt  }
0x44: {  	_ =	shalt  }
0x45: {  	_ =	shalt  }
0x46: {  	_ =	shalt  }
0x47: {  	_ =	shalt  }
0x48: {  	_ =	shalt  }
0x49: {  	_ =	shalt  }
0x4a: {  	_ =	shalt  }
0x4b: {  	_ =	shalt  }
0x4c: {  	_ =	shalt  }
0x4d: {  	_ =	shalt  }
0x4e: {  	_ =	shalt  }
0x4f: {  	_ =	shalt  }
0x50: {  	_ =	shalt  }
0x51: {  	_ =	shalt  }
0x52: {  	_ =	shalt  }
0x53: {  	_ =	shalt  }
0x54: {  	_ =	shalt  }
0x55: {  	_ =	shalt  }
0x56: {  	_ =	shalt  }
0x57: {  	_ =	shalt  }
0x58: {  	_ =	shalt  }
0x59: {  	_ =	shalt  }
0x5a: {  	_ =	shalt  }
0x5b: {  	_ =	shalt  }
0x5c: {  	_ =	shalt  }
0x5d: {  	_ =	shalt  }
0x5e: {  	_ =	shalt  }
0x5f: {  	_ =	shalt  }
0x60: {  	_ =	shalt  }
0x61: {  	_ =	shalt  }
0x62: {  	_ =	shalt  }
0x63: {  	_ =	shalt  }
0x64: {  	_ =	shalt  }
0x65: {  	_ =	shalt  }
0x66: {  	_ =	shalt  }
0x67: {  	_ =	shalt  }
0x68: {  	_ =	shalt  }
0x69: {  	_ =	shalt  }
0x6a: {  	_ =	shalt  }
0x6b: {  	_ =	shalt  }
0x6c: {  	_ =	shalt  }
0x6d: {  	_ =	shalt  }
0x6e: {  	_ =	shalt  }
0x6f: {  	_ =	shalt  }
0x70: {  	_ =	shalt  }
0x71: {  	_ =	shalt  }
0x72: {  	_ =	shalt  }
0x73: {  	_ =	shalt  }
0x74: {  	_ =	shalt  }
0x75: {  	_ =	shalt  }
0x76: {  	_ =	shalt  }
0x77: {  	_ =	shalt  }
0x78: {  	_ =	shalt  }
0x79: {  	_ =	shalt  }
0x7a: {  	_ =	shalt  }
0x7b: {  	_ =	shalt  }
0x7c: {  	_ =	shalt  }
0x7d: {  	_ =	shalt  }
0x7e: {  	_ =	shalt  }
0x7f: {  	_ =	shalt  }
0x80: {  	_ =	shalt  }
0x81: {  	_ =	shalt  }
0x82: {  	_ =	shalt  }
0x83: {  	_ =	shalt  }
0x84: {  	_ =	shalt  }
0x85: {  	_ =	shalt  }
0x86: {  	_ =	shalt  }
0x87: {  	_ =	shalt  }
.Lfunc_end0:
.L_simem_size_0:
called_computation_lowered:
.L_overlay_start_0:
0x88: {  	s2 =	sld [smem:$0x3FD9]  }
0x89: {  	s3 =	sld [smem:$0x3FFE];
	_ =	sdelay $0x1  }
0x8a: {  	s1 =	srdreg.scid  }
0x8b: {  	s0 =	sand.u32 $0x1, s1  }
0x8c: {  	s17 =	sshll.u32 s0, $0xA;
	s2 =	sadd.s32 s3, s2  }
0x8d: {  	s2 =	sadd.s32 s2, s17  }
0x8e: {  	[smem:$0x3FC2] =	sst s2  }
0x8f: {  	_ = 	snop  }
0x90: {  	s2 =	sld [smem:$0x3FC8]  }
0x91: {  	s18 =	sld [smem:$0x3FC7];
	(tm) =	ssettm $0x1  }
0x92: {  	s4 =	sld [smem:$0x3FFB];
	_ =	sdelay $0x3  }
0x93: {  	_ =	strace s4  }
0x94: {  	s4 =	sld [smem:$0x3FFC];
	_ =	sdelay $0x3  }
0x95: {  	_ =	strace s4  }
0x96: {  	s4 =	sld [smem:$0x3FFD];
	_ =	sdelay $0x3  }
0x97: {  	_ =	strace s4  }
0x98: {  	_ =	strace $0x8FFFFFFF  }
0x99: {  	s19 =	sld [smem:$0x3FDB];
	_ =	sdelay $0x1  }
0x9a: {  	s5 =	simm.s32 $_scs_section_size  }
0x9b: {  	s6 =	simm.s32 $_size__tile_overlayer_lowered;
	s7 =	simm.s32 $_tile_overlayer_lowered  }
0x9c: {  	s22 =	simm.s32 $0x1BFF;
	s21 =	sshll.u32 s7, $0x1;
	s4 =	sadd.s32 s5, s19  }
0x9d: {  	s8 =	simm.s32 $0x0;
	s20 =	sshll.u32 s6, $0x1;
	s6 =	sadd.s32 s21, s4  }
0x9e: {  	[timem:s8], [sflag:s22] =	dma.local [hbm:s6], s20  }
0x9f: {  	_ =	swait.ge [sflag:s22], s20  }
0xa0: {  	s5 =	ssub.s32 $0x0, s20;
	[sflag:s22] =	ssyncset.done $0x0  }
0xa1: {  	[sflag:s22] =	ssyncadd.s32 s5;
	_ =	sdelay $0x1  }
0xa2: {  	s23 =	simm.s32 $0x1B8B  }
0xa3: {  	_ =	swait.ge [sflag:s23], $0x1  }
0xa4: {  	[sflag:s23] =	ssyncset.done $0x0  }
0xa5: {  	s25 =	simm.s32 $0x1B8E;
	s24 =	sld [smem:$0x3FFE];
	[sflag:s23] =	ssyncadd.s32 $0xFFFFFFFF  }
0xa6: {  	s26 =	simm.s32 $execute0_lowered;
	[smem:$0x3FD2] =	sst s25  }
0xa7: {  	s6 =	sshll.u32 s26, $0x1;
	_ =	strace $0x80000046;
	[dreg:$0x1] =	wrdreg $0xFFFFFFFF  }
0xa8: {  	s28 =	simm.s32 $_size_execute0_lowered;
	s4 =	sadd.s32 s4, s6;
	[dreg:$0x0] =	wrdreg $0x0  }
0xa9: {  	s6 =	sshll.u32 s28, $0x1;
	[dreg:$0x2] =	wrdreg s4  }
0xaa: {  	[dreg:$0x3] =	wrdreg s6  }
0xab: {  	[dreg:$0x4] =	wrdreg $0xC0  }
0xac: {  	_ =	task [dreg:s8], $0x5FFFF  }
0xad: {  	[dreg:$0x1] =	wrdreg $0xFFFFFFFF  }
0xae: {  	[dreg:$0x0] =	wrdreg $0x60  }
0xaf: {  	[dreg:$0x2] =	wrdreg s2  }
0xb0: {  	[dreg:$0x3] =	wrdreg s18  }
0xb1: {  	[dreg:$0x4] =	wrdreg s24  }
0xb2: {  	[dreg:$0x5] =	wrdreg $0x9  }
0xb3: {  	_ =	task.clear_ibuf [dreg:s8], $0x6FFFF;
	_ =	strace $0x90000046  }
0xb4: {  	s29 =	simm.s32 $0x9;
	_ =	strace $0x80000048  }
0xb5: {  	_ =	swait.ge [sflag:s29], $0x1  }
0xb6: {  	[sflag:s29] =	ssyncadd.s32 $0xFFFFFFFF  }
0xb7: {  	_ =	strace $0x90000048  }
0xb8: {  	_ =	sfence  }
0xb9: {  	s30 =	sld [smem:$0x0];
	_ =	sdelay $0x2  }
0xba: {  	s31 =	sshll.u32 s1, $0xD;
	s1 =	sshrl.u32 s1, $0x2  }
0xbb: {  	s3 =	sand.u32 $0x4000, s31;
	s1 =	sadd.s32 s1, s30  }
0xbc: {  	s0 =	sor.u32 s3, s0;
	s1 =	sshll.u32 s1, $0x11  }
0xbd: {  	s0 =	sor.u32 s1, s0  }
0xbe: {  	s0 =	sadd.s32 $0x8F2B, s0  }
0xbf: {  	[sflag:s0] =	ssyncadd.remote.s32 $0x1  }
0xc0: {  	_ =	sfence.sel $0xFFFF  }
0xc1: {  	[dreg:$0x0] =	wrdreg $0xFFFFFFFF;
	(pc) =	sbr.abs _section_cstart, $3  }
0xc2: {  	[dreg:$0x1] =	wrdreg $0xFFFFFFFF  }
0xc3: {  	_ =	task.clear_ibuf [dreg:s8], $0x2FFFF;
	_ =	strace $0x9FFFFFFF  }
0xc4: {  	(tm) =	ssettm $0x7FFFFFFF  }
0xc5: {  	_ =	shalt  }
tec
execute0_lowered:
.L_overlay_start_1:
0x0: {  	(tag) =	ssettag $0x1  }
0x1: {  	s1 =	rddreg [dreg:$0x0]  }
0x2: {  	s0 =	srdreg.scid;
	s2 =	rddreg [dreg:$0x1]  }
0x3: {  	s6 =	stileid.u32;
	s5 =	rddreg [dreg:$0x2];
	s22 =	simm.s32 $0x2  }
0x4: {  	s23 =	simm.s32 $0x80;
	s24 =	simm.s32 $0x1;
	s0 =	sand.u32 $0x1, s0  }
0x5: {  	s3 =	sshll.u32 s6, $0x1;
	s6 =	sshll.u32 s6, $0xD;
	s7 =	sadd.s32 $0x300, s2  }
0x6: {  	s8 =	sadd.s32 $0x400, s2;
	s9 =	sadd.s32 $0x500, s2;
	s10 =	sadd.s32 $0x600, s2  }
0x7: {  	s11 =	sadd.s32 $0x700, s2;
	s12 =	sadd.s32 $0x800, s2;
	s13 =	sadd.s32 $0x900, s2  }
0x8: {  	s14 =	sadd.s32 $0xA00, s2;
	s15 =	sadd.s32 $0xB00, s2;
	s18 =	sadd.s32 $0xC00, s2  }
0x9: {  	s19 =	sadd.s32 $0xD00, s2;
	s20 =	sadd.s32 $0xE00, s2;
	s21 =	sadd.s32 $0xF00, s2  }
0xa: {  	s4 =	sor.u32 s0, s3;
	s3 =	simm.s32 $0x0;
	s0 =	ssub.s32 $0x2, s0  }
0xb: {  	s16 =	sshll.u32 s4, $0x7;
	[smem:$0x7FF] =	sst s3;
	s31 =	sshrl.u32 s0, $0x1  }
0xc: {  	s4 =	sshll.u32 s4, $0x4;
	s6 =	sor.u32 s6, s16;
	_ =	strace $0x80000047  }
0xd: {  	s0 =	ssub.s32 s0, s31;
	s1 =	sadd.s32 s1, s4;
	s4 =	sor.u32 $0x10, s16  }
0xe: {  	v10 =	vlaneseq.u32;
	s31 =	sor.u32 $0x20, s16;
	s25 =	sor.u32 $0x30, s16;
	s26 =	sor.u32 $0x40, s16  }
.Ltmp0:
0xf: {  	v8 =	vimm.f32 $0.0e+00;
	v11 =	vshrl.u32 v10, $0x3;
	s28 =	sor.u32 $0x50, s16;
	s6 =	sand.u32 $0x18380, s6;
	(pc) =	sbr.rel .LBB2_1-.Ltmp0, $4  }
0x10: {  	v9 =	vimm.s32 $0x0;
	vm0 =	vmmov $0xffff;
	v11 =	vmul.u32 $0x8, v11;
	s29 =	sor.u32 $0x60, s16;
	s30 =	sor.u32 $0x70, s16;
	s6 =	sshrl.u32 s6, $0x3  }
0x11: {  	v0 =	vor.u32 s16, v10;
	[dreg:$0x4] =	wrdreg s1;
	s0 =	smax.u32 s0, $0x1;
	v1 =	vor.u32 s4, v10;
	v2 =	vor.u32 s31, v10;
	s17 =	sadd.s32 s6, s5  }
0x12: {  	v3 =	vor.u32 s25, v10;
	v4 =	vor.u32 s26, v10;
	v5 =	vor.u32 s28, v10;
	s28 =	simm.s32 $0x0;
	[dreg:$0x6] =	wrdreg s0;
	s17 =	sadd.s32 $0x1200, s17  }
0x13: {  	v6 =	vor.u32 s29, v10;
	v7 =	vor.u32 s30, v10;
	v10 =	vand.u32 $0x7, v10;
	s5 =	sadd.s32 $0x100, s2;
	s6 =	sadd.s32 $0x200, s2;
	[dreg:$0x5] =	wrdreg s17  }
.LBB2_13:
0x14: {  	s0 =	rddreg [dreg:$0x5];
	s1 =	simm.s32 $0x400;
	s4 =	simm.s32 $0x18100  }
0x15: {  	[hbm4b:s0+s23] =	stream.strided.scatter [tilespmem:s4], [sflag:$0x2], $0x1000, s1, s23, $0x38;
	[tilespmem:$0x19100] =	vst v63  }
0x16: {  	_ =	swait.ge [sflag:s22], $0x1000  }
0x17: {  	s28 =	sadd.s32 $0x1, s28;
	s31 =	rddreg [dreg:$0x6]  }
0x18: {  	p0 =	sne.s32 s28, s31  }
.Ltmp1:
0x19: {  	_ = 	snop;
	(pc) =	sbr.rel @!p0 .LBB2_14-.Ltmp1, $3  }
0x1a: {  	_ =	sdelay $0x1  }
0x1b: {  	[sflag:s22] =	ssyncset.done $0x0  }
0x1c: {  	[sflag:s22] =	ssyncadd.s32 $0xFFFFF000  }
.LBB2_1:
0x1d: {  	s0 =	rddreg [dreg:$0x4]  }
0x1e: {  	[tilespmem:s3], [sflag:$0x2] =	stream.linear.gather [hbm4b:s0+s3], $0x80, $0x38;
	[tilespmem:$0x19100] =	vst v63  }
0x1f: {  	_ =	swait.ge [sflag:s22], $0x80  }
0x20: {  	[sflag:s22] =	ssyncset.done $0x0  }
0x21: {  	s1 =	simm.s32 $0x0;
	s0 =	simm.s32 $0x40;
	[sflag:s22] =	ssyncadd.s32 $0xFFFFFF80  }
.LBB2_2:
0x22: {  	p0 =	sne.s32 s0, $0x3FC0;
	[tilespmem:s1+$0x18100] =	vst v8;
	s1 =	smov.u32 s0;
	s0 =	sadd.s32 $0x40, s0  }
.Ltmp2:
0x23: {  	(pc) =	sbr.rel @p0 .LBB2_2-.Ltmp2, $2  }
0x24: {  	_ =	sdelay $0x2  }
0x25: {  	s1 =	sshra.s32 s1, $0x2  }
0x26: {  	[tilespmem:s1+$0x18100] =	vst v8  }
0x27: {  	v12 =	vld [tilespmem:$0x0];
	_ =	sdelay $0x4  }
0x28: {  	vm1 =	vgt.f32 v12, $0.0e+00  }
0x29: {  	v12 =	vsel vm1, $0x1, v9  }
0x2a: {  	(xrf0) =	vadd.scan.msk.s32 $0xffff, v12;
	_ =	sdelay $0x3  }
0x2b: {  	[tilespmem:$0x80] =	vst v9  }
0x2c: {  	[tilespmem:$0x90] =	vst v9  }
0x2d: {  	[tilespmem:$0xA0] =	vst v9;
	v12, _, _ =	vpop (xrf0)  }
0x2e: {  	[tilespmem:$0xB0] =	vst v9;
	v13 =	vadd.s32 $0xFFFFFFFF, v12  }
0x2f: {  	[tilespmem:$0xC0] =	vst v9  }
0x30: {  	[tilespmem:$0xD0] =	vst v9  }
0x31: {  	[tilespmem:$0xE0] =	vst v9;
	(v2sf) =	vpush v12, $0xF  }
0x32: {  	[tilespmem:$0xF0] =	vst v9  }
0x33: {  	[tilespmem:v13+s23+$0x0] =	vst.idx.msk vm1, v0  }
0x34: {  	v51 =	vld [tilespmem:$0x10];
	_ =	sdelay $0x4  }
0x35: {  	vm1 =	vgt.f32 v51, $0.0e+00  }
0x36: {  	v12 =	vsel vm1, $0x1, v9  }
0x37: {  	(xrf0) =	vadd.scan.msk.s32 $0xffff, v12;
	_ =	sdelay $0x4  }
0x38: {  	s0 =	spop (v2sf)  }
0x39: {  	s17 =	sadd.s32 $0xFFFFFFFF, s0;
	v12, _, _ =	vpop (xrf0)  }
0x3a: {  	v52 =	vadd.s32 s17, v12;
	_ =	sdelay $0x1  }
0x3b: {  	(v2sf) =	vpush v12, $0xF;
	_ =	sdelay $0x2  }
0x3c: {  	[tilespmem:v52+s23+$0x0] =	vst.idx.msk vm1, v1  }
0x3d: {  	v53 =	vld [tilespmem:$0x20];
	_ =	sdelay $0x4  }
0x3e: {  	vm1 =	vgt.f32 v53, $0.0e+00  }
0x3f: {  	v12 =	vsel vm1, $0x1, v9  }
0x40: {  	(xrf0) =	vadd.scan.msk.s32 $0xffff, v12;
	_ =	sdelay $0x3  }
0x41: {  	s25 =	spop (v2sf)  }
0x42: {  	s0 =	sadd.s32 s0, s25  }
0x43: {  	s1 =	sadd.s32 $0xFFFFFFFF, s0;
	v12, _, _ =	vpop (xrf0)  }
0x44: {  	v54 =	vadd.s32 s1, v12;
	_ =	sdelay $0x1  }
0x45: {  	(v2sf) =	vpush v12, $0xF;
	_ =	sdelay $0x2  }
0x46: {  	[tilespmem:v54+s23+$0x0] =	vst.idx.msk vm1, v2  }
0x47: {  	v55 =	vld [tilespmem:$0x30];
	_ =	sdelay $0x4  }
0x48: {  	vm1 =	vgt.f32 v55, $0.0e+00  }
0x49: {  	v12 =	vsel vm1, $0x1, v9  }
0x4a: {  	(xrf0) =	vadd.scan.msk.s32 $0xffff, v12;
	_ =	sdelay $0x3  }
0x4b: {  	s26 =	spop (v2sf)  }
0x4c: {  	s0 =	sadd.s32 s0, s26  }
0x4d: {  	s1 =	sadd.s32 $0xFFFFFFFF, s0;
	v12, _, _ =	vpop (xrf0)  }
0x4e: {  	v56 =	vadd.s32 s1, v12;
	_ =	sdelay $0x1  }
0x4f: {  	(v2sf) =	vpush v12, $0xF;
	_ =	sdelay $0x2  }
0x50: {  	[tilespmem:v56+s23+$0x0] =	vst.idx.msk vm1, v3  }
0x51: {  	v57 =	vld [tilespmem:$0x40];
	_ =	sdelay $0x4  }
0x52: {  	vm1 =	vgt.f32 v57, $0.0e+00  }
0x53: {  	v12 =	vsel vm1, $0x1, v9  }
0x54: {  	(xrf0) =	vadd.scan.msk.s32 $0xffff, v12;
	_ =	sdelay $0x3  }
0x55: {  	s31 =	spop (v2sf)  }
0x56: {  	s0 =	sadd.s32 s0, s31  }
0x57: {  	s1 =	sadd.s32 $0xFFFFFFFF, s0;
	v12, _, _ =	vpop (xrf0)  }
0x58: {  	v58 =	vadd.s32 s1, v12;
	_ =	sdelay $0x1  }
0x59: {  	(v2sf) =	vpush v12, $0xF;
	_ =	sdelay $0x2  }
0x5a: {  	[tilespmem:v58+s23+$0x0] =	vst.idx.msk vm1, v4  }
0x5b: {  	v59 =	vld [tilespmem:$0x50];
	_ =	sdelay $0x4  }
0x5c: {  	vm1 =	vgt.f32 v59, $0.0e+00  }
0x5d: {  	v12 =	vsel vm1, $0x1, v9  }
0x5e: {  	(xrf0) =	vadd.scan.msk.s32 $0xffff, v12;
	_ =	sdelay $0x3  }
0x5f: {  	s4 =	spop (v2sf)  }
0x60: {  	s0 =	sadd.s32 s0, s4  }
0x61: {  	s1 =	sadd.s32 $0xFFFFFFFF, s0;
	v12, _, _ =	vpop (xrf0)  }
0x62: {  	v60 =	vadd.s32 s1, v12;
	_ =	sdelay $0x1  }
0x63: {  	(v2sf) =	vpush v12, $0xF;
	_ =	sdelay $0x2  }
0x64: {  	[tilespmem:v60+s23+$0x0] =	vst.idx.msk vm1, v5  }
0x65: {  	v61 =	vld [tilespmem:$0x60];
	_ =	sdelay $0x4  }
0x66: {  	vm1 =	vgt.f32 v61, $0.0e+00  }
0x67: {  	v12 =	vsel vm1, $0x1, v9  }
0x68: {  	(xrf0) =	vadd.scan.msk.s32 $0xffff, v12;
	_ =	sdelay $0x3  }
0x69: {  	s16 =	spop (v2sf)  }
0x6a: {  	s0 =	sadd.s32 s0, s16  }
0x6b: {  	s1 =	sadd.s32 $0xFFFFFFFF, s0;
	v12, _, _ =	vpop (xrf0)  }
0x6c: {  	v62 =	vadd.s32 s1, v12;
	_ =	sdelay $0x4  }
0x6d: {  	[tilespmem:v62+s23+$0x0] =	vst.idx.msk vm1, v6  }
0x6e: {  	v13 =	vld [tilespmem:$0x70];
	_ =	sdelay $0x4  }
0x6f: {  	vm1 =	vgt.f32 v13, $0.0e+00  }
0x70: {  	v13 =	vsel vm1, $0x1, v9  }
0x71: {  	(xrf0) =	vadd.scan.msk.s32 $0xffff, v13;
	_ =	sdelay $0x5  }
0x72: {  	(v2sf) =	vpush v12, $0xF;
	v63, _, _ =	vpop (xrf0)  }
0x73: {  	(v2sf) =	vpush v63, $0xF;
	_ =	sdelay $0xd  }
0x74: {  	s17 =	spop (v2sf)  }
0x75: {  	s0 =	sadd.s32 s0, s17;
	s25 =	spop (v2sf)  }
0x76: {  	s29 =	sadd.s32 s0, s25  }
0x77: {  	s1 =	sadd.s32 $0x7, s29  }
0x78: {  	s4 =	sand.u32 $0x7, s1  }
0x79: {  	s26 =	sshra.s32 s1, $0x1F;
	p1 =	slt.s32 s1, $0x1;
	p0 =	sne.s32 s4, $0x0  }
0x7a: {  	s0 =	sadd.s32 $0xFFFFFFFF, s0;
	s31 =	sshrl.u32 s26, $0x1D;
	p0 =	por !p1, !p0  }
0x7b: {  	v12 =	vadd.s32 s0, v63;
	s0 =	sadd.s32 s31, s1;
	s1 =	simm.s32 $0x1;
	p0 =	por !p0, !p0  }
0x7c: {  	s0 =	sshra.s32 s0, $0x3;
	s1 =	simm.s32 @!p0 $0x0  }
0x7d: {  	s30 =	ssub.s32 s0, s1  }
0x7e: {  	p0 =	slt.s32 s30, $0x1  }
.Ltmp3:
0x7f: {  	_ = 	snop;
	(pc) =	sbr.rel @p0 .LBB2_13-.Ltmp3, $2  }
0x80: {  	_ =	sdelay $0x2  }
0x81: {  	[tilespmem:v12+s23+$0x0] =	vst.idx.msk vm1, v7  }
0x82: {  	v12 =	vld.msk [tilespmem:$0x80], $0xff;
	_ =	sdelay $0x4  }
0x83: {  	v13 =	vshll.u32 v12, $0x5  }
0x84: {  	v12 =	vand.u32 $0x7, v12;
	v13 =	vand.u32 $0xFFFFFF00, v13  }
0x85: {  	v12 =	vor.u32 v12, v13  }
0x86: {  	v12 =	vperm.xlane v12, v10;
	_ =	sdelay $0x1  }
0x87: {  	v12 =	vadd.s32 v11, v12;
	_ =	sdelay $0x3  }
0x88: {  	s0 =	simm.s32 $0x100  }
0x89: {  	[tilespmem:s0], [sflag:$0x1] =	stream.indirect_vreg.gather [hbm4b:s2+s3], $0x80, v12, vm0, $0xb8;
	[tilespmem:$0x19100] =	vst v63  }
0x8a: {  	s1 =	simm.s32 $0x900  }
0x8b: {  	[tilespmem:s1], [sflag:$0x1] =	stream.indirect_vreg.gather [hbm4b:s5+s3], $0x80, v12, vm0, $0xb8;
	[tilespmem:$0x19100] =	vst v63  }
0x8c: {  	s4 =	simm.s32 $0x1100  }
0x8d: {  	[tilespmem:s4], [sflag:$0x1] =	stream.indirect_vreg.gather [hbm4b:s6+s3], $0x80, v12, vm0, $0xb8;
	[tilespmem:$0x19100] =	vst v63  }
0x8e: {  	s16 =	simm.s32 $0x1900  }
0x8f: {  	[tilespmem:s16], [sflag:$0x1] =	stream.indirect_vreg.gather [hbm4b:s7+s3], $0x80, v12, vm0, $0xb8;
	[tilespmem:$0x19100] =	vst v63  }
0x90: {  	s17 =	simm.s32 $0x2100  }
0x91: {  	[tilespmem:s17], [sflag:$0x1] =	stream.indirect_vreg.gather [hbm4b:s8+s3], $0x80, v12, vm0, $0xb8;
	[tilespmem:$0x19100] =	vst v63  }
0x92: {  	s25 =	simm.s32 $0x2900  }
0x93: {  	[tilespmem:s25], [sflag:$0x1] =	stream.indirect_vreg.gather [hbm4b:s9+s3], $0x80, v12, vm0, $0xb8;
	[tilespmem:$0x19100] =	vst v63  }
0x94: {  	s26 =	simm.s32 $0x3100  }
0x95: {  	[tilespmem:s26], [sflag:$0x1] =	stream.indirect_vreg.gather [hbm4b:s10+s3], $0x80, v12, vm0, $0xb8;
	[tilespmem:$0x19100] =	vst v63  }
0x96: {  	s1 =	simm.s32 $0x3900  }
0x97: {  	[tilespmem:s1], [sflag:$0x1] =	stream.indirect_vreg.gather [hbm4b:s11+s3], $0x80, v12, vm0, $0xb8;
	[tilespmem:$0x19100] =	vst v63  }
0x98: {  	s4 =	simm.s32 $0x4100  }
0x99: {  	[tilespmem:s4], [sflag:$0x1] =	stream.indirect_vreg.gather [hbm4b:s12+s3], $0x80, v12, vm0, $0xb8;
	[tilespmem:$0x19100] =	vst v63  }
0x9a: {  	s16 =	simm.s32 $0x4900  }
0x9b: {  	[tilespmem:s16], [sflag:$0x1] =	stream.indirect_vreg.gather [hbm4b:s13+s3], $0x80, v12, vm0, $0xb8;
	[tilespmem:$0x19100] =	vst v63  }
0x9c: {  	s17 =	simm.s32 $0x5100  }
0x9d: {  	[tilespmem:s17], [sflag:$0x1] =	stream.indirect_vreg.gather [hbm4b:s14+s3], $0x80, v12, vm0, $0xb8;
	[tilespmem:$0x19100] =	vst v63  }
0x9e: {  	s25 =	simm.s32 $0x5900  }
0x9f: {  	[tilespmem:s25], [sflag:$0x1] =	stream.indirect_vreg.gather [hbm4b:s15+s3], $0x80, v12, vm0, $0xb8;
	[tilespmem:$0x19100] =	vst v63  }
0xa0: {  	s26 =	simm.s32 $0x6100  }
0xa1: {  	[tilespmem:s26], [sflag:$0x1] =	stream.indirect_vreg.gather [hbm4b:s18+s3], $0x80, v12, vm0, $0xb8;
	[tilespmem:$0x19100] =	vst v63  }
0xa2: {  	s1 =	simm.s32 $0x6900  }
0xa3: {  	[tilespmem:s1], [sflag:$0x1] =	stream.indirect_vreg.gather [hbm4b:s19+s3], $0x80, v12, vm0, $0xb8;
	[tilespmem:$0x19100] =	vst v63  }
0xa4: {  	s4 =	simm.s32 $0x7100  }
0xa5: {  	[tilespmem:s4], [sflag:$0x1] =	stream.indirect_vreg.gather [hbm4b:s20+s3], $0x80, v12, vm0, $0xb8;
	[tilespmem:$0x19100] =	vst v63  }
0xa6: {  	p0 =	seq.s32 s30, $0x1;
	s16 =	simm.s32 $0x7900  }
0xa7: {  	[tilespmem:s16], [sflag:$0x1] =	stream.indirect_vreg.gather [hbm4b:s21+s3], $0x80, v12, vm0, $0xb8;
	[tilespmem:$0x19100] =	vst v63  }
0xa8: {  	v12 =	vld.msk @!p0 [tilespmem:$0x88], $0xff;
	_ =	sdelay $0x4  }
0xa9: {  	v13 =	vshll.u32 @!p0 v12, $0x5  }
0xaa: {  	v14 =	vlaneseq.u32 @!p0;
	v12 =	vand.u32 @!p0 $0x7, v12;
	v13 =	vand.u32 @!p0 $0xFFFFFF00, v13  }
0xab: {  	v12 =	vor.u32 @!p0 v12, v13;
	v13 =	vand.u32 @!p0 $0x7, v14;
	v14 =	vshrl.u32 @!p0 v14, $0x3  }
0xac: {  	v12 =	vperm.xlane @!p0 v12, v13;
	v13 =	vmul.u32 @!p0 $0x8, v14;
	_ =	sdelay $0x1  }
0xad: {  	v12 =	vadd.s32 @!p0 v13, v12;
	_ =	sdelay $0x3  }
0xae: {  	vm1 =	vmmov @!p0 $0xffff;
	s0 =	simm.s32 @!p0 $0x0;
	s1 =	simm.s32 @!p0 $0x8100  }
0xaf: {  	[tilespmem:s1], [sflag:$0x1] =	stream.indirect_vreg.gather @!p0 [hbm4b:s2+s0], $0x80, v12, vm1, $0xb8;
	[tilespmem:$0x19100] =	vst v63  }
0xb0: {  	s1 =	simm.s32 @!p0 $0x8900  }
0xb1: {  	[tilespmem:s1], [sflag:$0x1] =	stream.indirect_vreg.gather @!p0 [hbm4b:s5+s0], $0x80, v12, vm1, $0xb8;
	[tilespmem:$0x19100] =	vst v63  }
0xb2: {  	s1 =	simm.s32 @!p0 $0x9100  }
0xb3: {  	[tilespmem:s1], [sflag:$0x1] =	stream.indirect_vreg.gather @!p0 [hbm4b:s6+s0], $0x80, v12, vm1, $0xb8;
	[tilespmem:$0x19100] =	vst v63  }
0xb4: {  	s1 =	simm.s32 @!p0 $0x9900  }
0xb5: {  	[tilespmem:s1], [sflag:$0x1] =	stream.indirect_vreg.gather @!p0 [hbm4b:s7+s0], $0x80, v12, vm1, $0xb8;
	[tilespmem:$0x19100] =	vst v63  }
0xb6: {  	s1 =	simm.s32 @!p0 $0xA100  }
0xb7: {  	[tilespmem:s1], [sflag:$0x1] =	stream.indirect_vreg.gather @!p0 [hbm4b:s8+s0], $0x80, v12, vm1, $0xb8;
	[tilespmem:$0x19100] =	vst v63  }
0xb8: {  	s1 =	simm.s32 @!p0 $0xA900  }
0xb9: {  	[tilespmem:s1], [sflag:$0x1] =	stream.indirect_vreg.gather @!p0 [hbm4b:s9+s0], $0x80, v12, vm1, $0xb8;
	[tilespmem:$0x19100] =	vst v63  }
0xba: {  	s1 =	simm.s32 @!p0 $0xB100  }
0xbb: {  	[tilespmem:s1], [sflag:$0x1] =	stream.indirect_vreg.gather @!p0 [hbm4b:s10+s0], $0x80, v12, vm1, $0xb8;
	[tilespmem:$0x19100] =	vst v63  }
0xbc: {  	s1 =	simm.s32 @!p0 $0xB900  }
0xbd: {  	[tilespmem:s1], [sflag:$0x1] =	stream.indirect_vreg.gather @!p0 [hbm4b:s11+s0], $0x80, v12, vm1, $0xb8;
	[tilespmem:$0x19100] =	vst v63  }
0xbe: {  	s1 =	simm.s32 @!p0 $0xC100  }
0xbf: {  	[tilespmem:s1], [sflag:$0x1] =	stream.indirect_vreg.gather @!p0 [hbm4b:s12+s0], $0x80, v12, vm1, $0xb8;
	[tilespmem:$0x19100] =	vst v63  }
0xc0: {  	s1 =	simm.s32 @!p0 $0xC900  }
0xc1: {  	[tilespmem:s1], [sflag:$0x1] =	stream.indirect_vreg.gather @!p0 [hbm4b:s13+s0], $0x80, v12, vm1, $0xb8;
	[tilespmem:$0x19100] =	vst v63  }
0xc2: {  	s1 =	simm.s32 @!p0 $0xD100  }
0xc3: {  	[tilespmem:s1], [sflag:$0x1] =	stream.indirect_vreg.gather @!p0 [hbm4b:s14+s0], $0x80, v12, vm1, $0xb8;
	[tilespmem:$0x19100] =	vst v63  }
0xc4: {  	s1 =	simm.s32 @!p0 $0xD900  }
0xc5: {  	[tilespmem:s1], [sflag:$0x1] =	stream.indirect_vreg.gather @!p0 [hbm4b:s15+s0], $0x80, v12, vm1, $0xb8;
	[tilespmem:$0x19100] =	vst v63  }
0xc6: {  	s1 =	simm.s32 @!p0 $0xE100  }
0xc7: {  	[tilespmem:s1], [sflag:$0x1] =	stream.indirect_vreg.gather @!p0 [hbm4b:s18+s0], $0x80, v12, vm1, $0xb8;
	[tilespmem:$0x19100] =	vst v63  }
0xc8: {  	s1 =	simm.s32 @!p0 $0xE900  }
0xc9: {  	[tilespmem:s1], [sflag:$0x1] =	stream.indirect_vreg.gather @!p0 [hbm4b:s19+s0], $0x80, v12, vm1, $0xb8;
	[tilespmem:$0x19100] =	vst v63  }
0xca: {  	s1 =	simm.s32 @!p0 $0xF100  }
0xcb: {  	[tilespmem:s1], [sflag:$0x1] =	stream.indirect_vreg.gather @!p0 [hbm4b:s20+s0], $0x80, v12, vm1, $0xb8;
	[tilespmem:$0x19100] =	vst v63  }
0xcc: {  	p6 =	slt.s32 s29, $0x1;
	s17 =	sand.u32 $0x7, s29;
	s1 =	simm.s32 @!p0 $0xF900  }
0xcd: {  	[tilespmem:s1], [sflag:$0x1] =	stream.indirect_vreg.gather @!p0 [hbm4b:s21+s0], $0x80, v12, vm1, $0xb8;
	[tilespmem:$0x19100] =	vst v63  }
.Ltmp4:
0xce: {  	p1 =	sne.s32 s17, $0x0;
	s25 =	sshra.s32 s29, $0x1F;
	(pc) =	sbr.rel .LBB2_5-.Ltmp4, $4  }
0xcf: {  	s26 =	sshrl.u32 s25, $0x1D;
	p0 =	por !p6, !p1  }
0xd0: {  	s0 =	sadd.s32 s26, s29;
	s1 =	simm.s32 $0x1;
	p0 =	por !p0, !p0  }
0xd1: {  	s0 =	sshra.s32 s0, $0x3;
	s1 =	simm.s32 @!p0 $0x0  }
0xd2: {  	s31 =	ssub.s32 s0, s1;
	s1 =	simm.s32 $0x0  }
.LBB2_11:
0xd3: {  	s4 =	sand.u32 $0x70, s16;
	s0 =	sadd.s32 s17, s0  }
0xd4: {  	[tilespmem:s25+$0x0] =	vst v20;
	s0 =	sadd.s32 s4, s0  }
0xd5: {  	s26 =	sadd.s32 $0x10, s25;
	v20 =	vld [tilespmem:s0+$0x0]  }
0xd6: {  	v21 =	vld [tilespmem:s26+$0x0]  }
0xd7: {  	v22 =	vld [tilespmem:s0+$0x80];
	_ =	sdelay $0x1  }
0xd8: {  	v23 =	vld [tilespmem:s0+$0x100]  }
0xd9: {  	v12 =	vmul.f32 v20, v12  }
0xda: {  	v53 =	vld [tilespmem:s0+$0x180]  }
0xdb: {  	v13 =	vmul.f32 v22, v13;
	v12 =	vadd.f32 v12, v21  }
0xdc: {  	v54 =	vld [tilespmem:s0+$0x200]  }
0xdd: {  	v55 =	vmul.f32 v23, v14;
	v12 =	vadd.f32 v13, v12  }
0xde: {  	v56 =	vld [tilespmem:s0+$0x280]  }
0xdf: {  	v57 =	vmul.f32 v53, v15;
	v12 =	vadd.f32 v55, v12  }
0xe0: {  	v58 =	vld [tilespmem:s0+$0x300]  }
0xe1: {  	v59 =	vmul.f32 v54, v16;
	v12 =	vadd.f32 v57, v12  }
0xe2: {  	v60 =	vld [tilespmem:s0+$0x380]  }
0xe3: {  	v61 =	vmul.f32 v56, v17;
	v12 =	vadd.f32 v59, v12;
	_ =	sdelay $0x1  }
0xe4: {  	v62 =	vmul.f32 v58, v18;
	v12 =	vadd.f32 v61, v12;
	_ =	sdelay $0x1  }
0xe5: {  	v63 =	vmul.f32 v60, v19;
	v12 =	vadd.f32 v62, v12;
	_ =	sdelay $0x1  }
0xe6: {  	v12 =	vadd.f32 v63, v12;
	_ =	sdelay $0x1  }
0xe7: {  	[tilespmem:s26+$0x0] =	vst v12  }
.LBB2_12:
0xe8: {  	s1 =	sadd.s32 $0x1, s1  }
0xe9: {  	p0 =	sne.s32 s1, s30  }
.Ltmp5:
0xea: {  	_ = 	snop;
	(pc) =	sbr.rel @!p0 .LBB2_13-.Ltmp5, $1  }
0xeb: {  	_ =	sdelay $0x3  }
.LBB2_5:
0xec: {  	s0 =	sadd.s32 $0x2, s1  }
0xed: {  	_ =	swait.ge [sflag:s24], $0x8000;
	p0 =	sge.s32 s0, s30  }
0xee: {  	[sflag:s24] =	ssyncset.done $0x0;
	s4 =	sshll.u32 @!p0 s0, $0x5  }
0xef: {  	[sflag:s24] =	ssyncadd.s32 $0xFFFF8000;
	s4 =	sshra.s32 @!p0 s4, $0x2  }
0xf0: {  	v12 =	vld.msk @!p0 [tilespmem:s4+$0x80], $0xff;
	_ =	sdelay $0x4  }
0xf1: {  	v13 =	vshll.u32 @!p0 v12, $0x5  }
0xf2: {  	v14 =	vlaneseq.u32 @!p0;
	v12 =	vand.u32 @!p0 $0x7, v12;
	v13 =	vand.u32 @!p0 $0xFFFFFF00, v13  }
0xf3: {  	s4 =	smulhi.u32 @!p0 $0xAAAAAAAB, s0;
	v12 =	vor.u32 @!p0 v12, v13;
	v13 =	vand.u32 @!p0 $0x7, v14;
	v14 =	vshrl.u32 @!p0 v14, $0x3  }
0xf4: {  	v12 =	vperm.xlane @!p0 v12, v13;
	v13 =	vmul.u32 @!p0 $0x8, v14  }
0xf5: {  	s4 =	sshrl.u32 @!p0 s4, $0x1  }
0xf6: {  	s4 =	smul.u32 @!p0 $0x3, s4;
	v12 =	vadd.s32 @!p0 v13, v12;
	_ =	sdelay $0x1  }
0xf7: {  	s0 =	ssub.s32 @!p0 s0, s4  }
0xf8: {  	s0 =	sshll.u32 @!p0 s0, $0xF  }
0xf9: {  	vm1 =	vmmov @!p0 $0xffff;
	s16 =	simm.s32 @!p0 $0x0;
	s4 =	sor.u32 @!p0 $0x100, s0  }
0xfa: {  	[tilespmem:s4], [sflag:$0x1] =	stream.indirect_vreg.gather @!p0 [hbm4b:s2+s16], $0x80, v12, vm1, $0xb8;
	[tilespmem:$0x19100] =	vst v63  }
0xfb: {  	s4 =	sor.u32 @!p0 $0x900, s0  }
0xfc: {  	[tilespmem:s4], [sflag:$0x1] =	stream.indirect_vreg.gather @!p0 [hbm4b:s5+s16], $0x80, v12, vm1, $0xb8;
	[tilespmem:$0x19100] =	vst v63  }
0xfd: {  	s4 =	sor.u32 @!p0 $0x1100, s0  }
0xfe: {  	[tilespmem:s4], [sflag:$0x1] =	stream.indirect_vreg.gather @!p0 [hbm4b:s6+s16], $0x80, v12, vm1, $0xb8;
	[tilespmem:$0x19100] =	vst v63  }
0xff: {  	s4 =	sor.u32 @!p0 $0x1900, s0  }
0x100: {  	[tilespmem:s4], [sflag:$0x1] =	stream.indirect_vreg.gather @!p0 [hbm4b:s7+s16], $0x80, v12, vm1, $0xb8;
	[tilespmem:$0x19100] =	vst v63  }
0x101: {  	s4 =	sor.u32 @!p0 $0x2100, s0  }
0x102: {  	[tilespmem:s4], [sflag:$0x1] =	stream.indirect_vreg.gather @!p0 [hbm4b:s8+s16], $0x80, v12, vm1, $0xb8;
	[tilespmem:$0x19100] =	vst v63  }
0x103: {  	s4 =	sor.u32 @!p0 $0x2900, s0  }
0x104: {  	[tilespmem:s4], [sflag:$0x1] =	stream.indirect_vreg.gather @!p0 [hbm4b:s9+s16], $0x80, v12, vm1, $0xb8;
	[tilespmem:$0x19100] =	vst v63  }
0x105: {  	s4 =	sor.u32 @!p0 $0x3100, s0  }
0x106: {  	[tilespmem:s4], [sflag:$0x1] =	stream.indirect_vreg.gather @!p0 [hbm4b:s10+s16], $0x80, v12, vm1, $0xb8;
	[tilespmem:$0x19100] =	vst v63  }
0x107: {  	s4 =	sor.u32 @!p0 $0x3900, s0  }
0x108: {  	[tilespmem:s4], [sflag:$0x1] =	stream.indirect_vreg.gather @!p0 [hbm4b:s11+s16], $0x80, v12, vm1, $0xb8;
	[tilespmem:$0x19100] =	vst v63  }
0x109: {  	s4 =	sor.u32 @!p0 $0x4100, s0  }
0x10a: {  	[tilespmem:s4], [sflag:$0x1] =	stream.indirect_vreg.gather @!p0 [hbm4b:s12+s16], $0x80, v12, vm1, $0xb8;
	[tilespmem:$0x19100] =	vst v63  }
0x10b: {  	s4 =	sor.u32 @!p0 $0x4900, s0  }
0x10c: {  	[tilespmem:s4], [sflag:$0x1] =	stream.indirect_vreg.gather @!p0 [hbm4b:s13+s16], $0x80, v12, vm1, $0xb8;
	[tilespmem:$0x19100] =	vst v63  }
0x10d: {  	s4 =	sor.u32 @!p0 $0x5100, s0  }
0x10e: {  	[tilespmem:s4], [sflag:$0x1] =	stream.indirect_vreg.gather @!p0 [hbm4b:s14+s16], $0x80, v12, vm1, $0xb8;
	[tilespmem:$0x19100] =	vst v63  }
0x10f: {  	s4 =	sor.u32 @!p0 $0x5900, s0  }
0x110: {  	[tilespmem:s4], [sflag:$0x1] =	stream.indirect_vreg.gather @!p0 [hbm4b:s15+s16], $0x80, v12, vm1, $0xb8;
	[tilespmem:$0x19100] =	vst v63  }
0x111: {  	s17 =	sor.u32 @!p0 $0x6100, s0  }
0x112: {  	[tilespmem:s17], [sflag:$0x1] =	stream.indirect_vreg.gather @!p0 [hbm4b:s18+s16], $0x80, v12, vm1, $0xb8;
	[tilespmem:$0x19100] =	vst v63  }
0x113: {  	s26 =	smulhi.u32 $0xAAAAAAAB, s1;
	s17 =	sor.u32 @!p0 $0x6900, s0  }
0x114: {  	[tilespmem:s17], [sflag:$0x1] =	stream.indirect_vreg.gather @!p0 [hbm4b:s19+s16], $0x80, v12, vm1, $0xb8;
	[tilespmem:$0x19100] =	vst v63  }
0x115: {  	s4 =	sshrl.u32 s26, $0x1;
	s17 =	sor.u32 @!p0 $0x7100, s0  }
0x116: {  	[tilespmem:s17], [sflag:$0x1] =	stream.indirect_vreg.gather @!p0 [hbm4b:s20+s16], $0x80, v12, vm1, $0xb8;
	[tilespmem:$0x19100] =	vst v63  }
0x117: {  	s4 =	smul.u32 $0x3, s4;
	s0 =	sor.u32 @!p0 $0x7900, s0  }
0x118: {  	[tilespmem:s0], [sflag:$0x1] =	stream.indirect_vreg.gather @!p0 [hbm4b:s21+s16], $0x80, v12, vm1, $0xb8;
	[tilespmem:$0x19100] =	vst v63  }
0x119: {  	s4 =	ssub.s32 s1, s4;
	p0 =	sge.s32 s1, s31  }
.Ltmp6:
0x11a: {  	s17 =	sshll.u32 s4, $0xF;
	(pc) =	sbr.rel @p0 .LBB2_9-.Ltmp6, $4  }
0x11b: {  	s25 =	simm.s32 $0x0;
	s0 =	sand.u32 $0x3FFF8000, s17  }
0x11c: {  	s26 =	sand.u32 $0x7C00, s25;
	s0 =	sor.u32 $0x100, s0  }
0x11d: {  	s4 =	sand.u32 $0x70, s25;
	s16 =	sadd.s32 s26, s0  }
0x11e: {  	s25 =	simm.s32 $0x18100;
	s4 =	sadd.s32 s4, s16  }
0x11f: {  	v12 =	vld [tilespmem:s4+$0x0]  }
0x120: {  	v13 =	vld [tilespmem:s25+$0x0];
	_ =	sdelay $0x1  }
0x121: {  	v14 =	vld [tilespmem:s4+$0x80];
	_ =	sdelay $0x1  }
0x122: {  	v15 =	vld [tilespmem:s4+$0x100]  }
0x123: {  	v12 =	vadd.f32 v12, v13  }
0x124: {  	v13 =	vld [tilespmem:s4+$0x180]  }
0x125: {  	v12 =	vadd.f32 v14, v12  }
0x126: {  	v14 =	vld [tilespmem:s4+$0x200]  }
0x127: {  	v12 =	vadd.f32 v15, v12  }
0x128: {  	v15 =	vld [tilespmem:s4+$0x280]  }
0x129: {  	v12 =	vadd.f32 v13, v12  }
0x12a: {  	v13 =	vld [tilespmem:s4+$0x300]  }
0x12b: {  	v12 =	vadd.f32 v14, v12  }
0x12c: {  	v14 =	vld [tilespmem:s4+$0x380]  }
0x12d: {  	v12 =	vadd.f32 v15, v12;
	_ =	sdelay $0x1  }
0x12e: {  	v12 =	vadd.f32 v13, v12  }
0x12f: {  	s4 =	simm.s32 $0x80  }
0x130: {  	s16 =	simm.s32 $0x10;
	s26 =	sand.u32 $0x7C00, s4;
	v12 =	vadd.f32 v14, v12  }
0x131: {  	s17 =	sand.u32 $0x70, s16;
	s16 =	simm.s32 $0x20;
	s26 =	sadd.s32 s26, s0  }
.LBB2_7:
0x132: {  	p0 =	seq.s32 s16, $0xFF0;
	s17 =	sadd.s32 s17, s26;
	[tilespmem:s25+$0x0] =	vst v12  }
0x133: {  	s25 =	sadd.s32 $0x10, s25;
	v12 =	vld [tilespmem:s17+$0x0]  }
0x134: {  	v13 =	vld [tilespmem:s25+$0x0];
	_ =	sdelay $0x1  }
0x135: {  	v14 =	vld [tilespmem:s17+$0x80];
	_ =	sdelay $0x1  }
0x136: {  	v15 =	vld [tilespmem:s17+$0x100]  }
0x137: {  	v12 =	vadd.f32 v12, v13  }
0x138: {  	v13 =	vld [tilespmem:s17+$0x180]  }
0x139: {  	v12 =	vadd.f32 v14, v12  }
0x13a: {  	v14 =	vld [tilespmem:s17+$0x200]  }
0x13b: {  	v12 =	vadd.f32 v15, v12  }
0x13c: {  	v15 =	vld [tilespmem:s17+$0x280]  }
0x13d: {  	v12 =	vadd.f32 v13, v12  }
0x13e: {  	v13 =	vld [tilespmem:s17+$0x300]  }
0x13f: {  	v12 =	vadd.f32 v14, v12  }
0x140: {  	v14 =	vld [tilespmem:s17+$0x380]  }
0x141: {  	v12 =	vadd.f32 v15, v12  }
.Ltmp7:
0x142: {  	(pc) =	sbr.rel @!p0 .LBB2_7-.Ltmp7, $4  }
0x143: {  	v12 =	vadd.f32 v13, v12  }
0x144: {  	s4 =	sadd.s32 $0x80, s4  }
0x145: {  	s26 =	sand.u32 $0x7C00, s4;
	v12 =	vadd.f32 v14, v12  }
0x146: {  	s26 =	sadd.s32 s26, s0;
	s17 =	sand.u32 $0x70, s16;
	s16 =	sadd.s32 $0x10, s16  }
0x147: {  	s0 =	sadd.s32 s17, s26;
	[tilespmem:s25+$0x0] =	vst v12  }
0x148: {  	s4 =	sadd.s32 $0x10, s25;
	v12 =	vld [tilespmem:s0+$0x0]  }
0x149: {  	v13 =	vld [tilespmem:s4+$0x0];
	_ =	sdelay $0x1  }
0x14a: {  	v14 =	vld [tilespmem:s0+$0x80];
	_ =	sdelay $0x1  }
0x14b: {  	v15 =	vld [tilespmem:s0+$0x100]  }
0x14c: {  	v12 =	vadd.f32 v12, v13  }
0x14d: {  	v59 =	vld [tilespmem:s0+$0x180]  }
0x14e: {  	v12 =	vadd.f32 v14, v12  }
0x14f: {  	v60 =	vld [tilespmem:s0+$0x200]  }
0x150: {  	v12 =	vadd.f32 v15, v12  }
0x151: {  	v61 =	vld [tilespmem:s0+$0x280]  }
0x152: {  	v12 =	vadd.f32 v59, v12  }
0x153: {  	v62 =	vld [tilespmem:s0+$0x300]  }
0x154: {  	v12 =	vadd.f32 v60, v12  }
0x155: {  	v63 =	vld [tilespmem:s0+$0x380]  }
0x156: {  	v12 =	vadd.f32 v61, v12;
	_ =	sdelay $0x1  }
.Ltmp8:
0x157: {  	v12 =	vadd.f32 v62, v12;
	(pc) =	sbr.rel .LBB2_12-.Ltmp8, $3  }
0x158: {  	_ = 	snop  }
0x159: {  	v12 =	vadd.f32 v63, v12;
	_ =	sdelay $0x1  }
0x15a: {  	[tilespmem:s4+$0x0] =	vst v12  }
.LBB2_9:
0x15b: {  	v13 =	vld [tilespmem:s4+$0x0]  }
0x15c: {  	s16 =	sshll.u32 s1, $0x3;
	v14 =	vld [tilespmem:s25+$0x0]  }
0x15d: {  	s17 =	simm.f32 $1.000000000e+00;
	v15 =	vld [tilespmem:s4+$0x80];
	p0 =	slt.s32 s16, s29  }
0x15e: {  	s26 =	sor.u32 $0x1, s16;
	s17 =	simm.s32 @!p0 $0x0  }
0x15f: {  	v16 =	vld [tilespmem:s4+$0x100];
	p0 =	slt.s32 s26, s29;
	s26 =	simm.f32 $1.000000000e+00;
	v12 =	vmov s17  }
0x160: {  	s26 =	simm.s32 @!p0 $0x0;
	s17 =	sor.u32 $0x2, s16;
	v17 =	vmul.f32 v13, v12  }
0x161: {  	v18 =	vld [tilespmem:s4+$0x180];
	p0 =	slt.s32 s17, s29;
	s17 =	simm.f32 $1.000000000e+00;
	v13 =	vmov s26  }
0x162: {  	s17 =	simm.s32 @!p0 $0x0;
	s26 =	sor.u32 $0x3, s16;
	v15 =	vmul.f32 v15, v13;
	v17 =	vadd.f32 v17, v14  }
0x163: {  	v19 =	vld [tilespmem:s4+$0x200];
	p0 =	slt.s32 s26, s29;
	s26 =	simm.f32 $1.000000000e+00;
	v14 =	vmov s17  }
0x164: {  	s26 =	simm.s32 @!p0 $0x0;
	s17 =	sor.u32 $0x4, s16;
	v16 =	vmul.f32 v16, v14;
	v17 =	vadd.f32 v15, v17  }
0x165: {  	v20 =	vld [tilespmem:s4+$0x280];
	p0 =	slt.s32 s17, s29;
	s17 =	simm.f32 $1.000000000e+00;
	v15 =	vmov s26  }
0x166: {  	s17 =	simm.s32 @!p0 $0x0;
	s26 =	sor.u32 $0x5, s16;
	v18 =	vmul.f32 v18, v15;
	v17 =	vadd.f32 v16, v17  }
0x167: {  	v21 =	vld [tilespmem:s4+$0x300];
	p0 =	slt.s32 s26, s29;
	s26 =	simm.f32 $1.000000000e+00;
	v16 =	vmov s17  }
0x168: {  	s16 =	sor.u32 $0x6, s16;
	s26 =	simm.s32 @!p0 $0x0;
	v19 =	vmul.f32 v19, v16;
	v18 =	vadd.f32 v18, v17  }
0x169: {  	v22 =	vld [tilespmem:s4+$0x380];
	p0 =	slt.s32 s16, s29;
	s16 =	simm.f32 $1.000000000e+00;
	v17 =	vmov s26  }
0x16a: {  	s16 =	simm.s32 @!p0 $0x0;
	s26 =	sshllo.u32 s1, $0x3;
	v20 =	vmul.f32 v20, v17;
	v19 =	vadd.f32 v19, v18  }
0x16b: {  	s4 =	simm.f32 $1.000000000e+00;
	p0 =	slt.s32 s26, s29;
	v18 =	vmov s16  }
0x16c: {  	s4 =	simm.s32 @!p0 $0x0;
	v21 =	vmul.f32 v21, v18;
	v20 =	vadd.f32 v20, v19  }
0x16d: {  	v19 =	vmov s4  }
0x16e: {  	v20 =	vadd.f32 v21, v20;
	v21 =	vmul.f32 v22, v19  }
0x16f: {  	s26 =	simm.s32 $0x80  }
0x170: {  	s16 =	simm.s32 $0x10;
	s17 =	sand.u32 $0x7C00, s26;
	s4 =	simm.s32 $0x20;
	v20 =	vadd.f32 v21, v20  }
.LBB2_10:
0x171: {  	p0 =	sne.s32 s4, $0xFF0;
	s16 =	sand.u32 $0x70, s16;
	s17 =	sadd.s32 s17, s0  }
0x172: {  	s17 =	sadd.s32 s16, s17;
	[tilespmem:s25+$0x0] =	vst v20;
	s16 =	smov.u32 s4  }
0x173: {  	s25 =	sadd.s32 $0x10, s25;
	v20 =	vld [tilespmem:s17+$0x0]  }
0x174: {  	v21 =	vld [tilespmem:s25+$0x0]  }
0x175: {  	v22 =	vld [tilespmem:s17+$0x80];
	_ =	sdelay $0x1  }
0x176: {  	v23 =	vld [tilespmem:s17+$0x100]  }
0x177: {  	v20 =	vmul.f32 v20, v12  }
0x178: {  	v24 =	vld [tilespmem:s17+$0x180]  }
0x179: {  	v20 =	vadd.f32 v20, v21;
	v21 =	vmul.f32 v22, v13  }
0x17a: {  	v22 =	vld [tilespmem:s17+$0x200]  }
0x17b: {  	v20 =	vadd.f32 v21, v20;
	v21 =	vmul.f32 v23, v14  }
0x17c: {  	v23 =	vld [tilespmem:s17+$0x280]  }
0x17d: {  	v20 =	vadd.f32 v21, v20;
	v21 =	vmul.f32 v24, v15  }
0x17e: {  	v24 =	vld [tilespmem:s17+$0x300]  }
0x17f: {  	v20 =	vadd.f32 v21, v20;
	v21 =	vmul.f32 v22, v16  }
0x180: {  	v22 =	vld [tilespmem:s17+$0x380]  }
0x181: {  	v20 =	vadd.f32 v21, v20;
	v21 =	vmul.f32 v23, v17;
	_ =	sdelay $0x1  }
.Ltmp9:
0x182: {  	v20 =	vadd.f32 v21, v20;
	v21 =	vmul.f32 v24, v18;
	(pc) =	sbr.rel @p0 .LBB2_10-.Ltmp9, $4  }
0x183: {  	_ = 	snop  }
0x184: {  	v20 =	vadd.f32 v21, v20;
	v21 =	vmul.f32 v22, v19  }
0x185: {  	s26 =	sadd.s32 $0x80, s26  }
0x186: {  	s4 =	sadd.s32 $0x10, s4;
	s17 =	sand.u32 $0x7C00, s26;
	v20 =	vadd.f32 v21, v20  }
.Ltmp10:
0x187: {  	_ = 	snop;
	(pc) =	sbr.rel .LBB2_11-.Ltmp10, $1  }
0x188: {  	_ =	sdelay $0x3  }
.LBB2_14:
0x189: {  	_ =	sfence.sel $0x180000  }
0x18a: {  	[bflag:$0x0] =	sbarrier.arrive $0xFFFF  }
0x18b: {  	_ =	strace $0x90000047  }
0x18c: {  	s0 =	stileid.u32;
	[bflag:$0x2] =	sbarrier.arrive $0xFFFF  }
0x18d: {  	p0 =	sne.s32 s0, $0x0;
	s0 =	rddreg [dreg:$0x3]  }
0x18e: {  	s0 =	sadd.s32 @!p0 $0x100000, s0  }
0x18f: {  	[sflag:s0] =	ssyncadd.tile.s32 @!p0 $0x1;
	_ =	shalt  }
.Lfunc_end2:
_tile_overlayer_lowered:
.L_overlay_start_2:
0x190: {  	(tag) =	ssettag $0x2  }
0x191: {  	s0 =	rddreg [dreg:$0x0];
	s2 =	stileid.u32  }
0x192: {  	s1 =	rddreg [dreg:$0x1];
	p0 =	sne.s32 s2, $0x0  }
0x193: {  	s3 =	rddreg [dreg:$0x2];
	[bflag:$0x3] =	sbarrier.arrive $0xFFFF;
	s2 =	simm.s32 @!p0 $0x1C02  }
0x194: {  	[timem:s3], [sflag:s2] =	dma.local @!p0 [hbm:s0], s1  }
0x195: {  	s0 =	simm.s32 @!p0 $0x2  }
0x196: {  	_ =	swait.ge @!p0 [sflag:s0], s1  }
0x197: {  	s1 =	ssub.s32 @!p0 $0x0, s1;
	[sflag:s0] =	ssyncset.done @!p0 $0x0  }
0x198: {  	[sflag:s0] =	ssyncadd.s32 @!p0 s1  }
0x199: {  	[bflag:$0x3] =	sbarrier.arrive $0xFFFF  }
0x19a: {  	_ =	shalt  }

</sc_bundles>
